<compile_context>
chip_gen: v7x
topology: tpu7x:2x2x1
jax: 0.10.2.dev20260603
libtpu: 0.0.44.dev20260713+nightly
codegen_flags: <defaults>
</compile_context>

<pallas_src>
import functools

import jax
import jax.numpy as jnp
import numpy as np
from jax import lax
from jax.experimental import pallas as pl
from jax.experimental.pallas import tpu as pltpu
from jax.experimental.pallas import tpu_sc as plsc

_N = 131072
_K = 256
_NB = 32
_NE = _NB + 1
_L = 16
_NC = 2
_NS = 16
_TILES = _NC * _NS
_ROWS_PER_TILE = _N // _TILES
_CHUNK = 128
_NCHUNKS = _ROWS_PER_TILE // _CHUNK
_GROUPS = _K // _L
_CHUNK_ELEMS = _CHUNK * _K



_MM_BLK = 16384
_MM_GRID = _N // _MM_BLK


def _minmax_body(x_ref, mn_ref, mx_ref, params_ref):
    i = pl.program_id(0)
    m = jnp.min(x_ref[...])
    mm = jnp.max(x_ref[...])

    @pl.when(i == 0)
    def _():
        mn_ref[0, 0] = m
        mx_ref[0, 0] = mm

    @pl.when(i != 0)
    def _():
        mn_ref[0, 0] = jnp.minimum(mn_ref[0, 0], m)
        mx_ref[0, 0] = jnp.maximum(mx_ref[0, 0], mm)

    @pl.when(i == _MM_GRID - 1)
    def _():
        r0 = mn_ref[0, 0]
        r1 = mx_ref[0, 0]
        scale = jnp.where(r1 > r0, _NB / (r1 - r0), 0.0).astype(jnp.float32)
        params_ref[0, :] = jnp.full((_L,), r0, jnp.float32)
        params_ref[1, :] = jnp.full((_L,), scale, jnp.float32)


def _minmax(x):
    return pl.pallas_call(
        _minmax_body,
        grid=(_MM_GRID,),
        in_specs=[pl.BlockSpec((_MM_BLK, _K), lambda i: (i, 0))],
        out_specs=[
            pl.BlockSpec(memory_space=pltpu.SMEM),
            pl.BlockSpec(memory_space=pltpu.SMEM),
            pl.BlockSpec((2, _L), lambda i: (0, 0)),
        ],
        out_shape=[
            jax.ShapeDtypeStruct((1, 1), jnp.float32),
            jax.ShapeDtypeStruct((1, 1), jnp.float32),
            jax.ShapeDtypeStruct((2, _L), jnp.float32),
        ],
    )(x)



_sc_mesh = plsc.VectorSubcoreMesh(core_axis_name="c", subcore_axis_name="s")


@functools.partial(
    pl.kernel,
    mesh=_sc_mesh,
    compiler_params=pltpu.CompilerParams(needs_layout_passes=False),
    out_type=jax.ShapeDtypeStruct((_TILES, _NE * _K), jnp.float32),
    scratch_types=[
        pltpu.VMEM((_CHUNK, _K), jnp.float32),
        pltpu.VMEM((_CHUNK, _K), jnp.float32),
        pltpu.VMEM((2, _L), jnp.float32),
        pltpu.VMEM((_NE * _K,), jnp.float32),
        pltpu.SemaphoreType.DMA,
        pltpu.SemaphoreType.DMA,
    ],
)
def _hist(mean_hbm, params_hbm, out_hbm, chunk0, chunk1, params_v, acc_v,
          sem0, sem1):
    c = lax.axis_index("c")
    s = lax.axis_index("s")
    wid = s * _NC + c

    pltpu.sync_copy(params_hbm, params_v)
    r0v = params_v[0, :]
    sv = params_v[1, :]

    zero = jnp.zeros((_L,), jnp.float32)
    ones = jnp.ones((_L,), jnp.float32)
    lane = lax.iota(jnp.int32, _L)

    def zrow(j, carry):
        for g in range(_GROUPS):
            acc_v[pl.ds(j * _K + g * _L, _L)] = zero
        return carry

    lax.fori_loop(0, _NE, zrow, None)

    def copy(ci, buf, sem):
        row0 = wid * _ROWS_PER_TILE + ci * _CHUNK
        return pltpu.make_async_copy(
            mean_hbm.at[pl.ds(row0, _CHUNK)], buf, sem)

    def process(buf):
        @plsc.parallel_loop(0, _CHUNK * _GROUPS, unroll=16)
        def _(v):
            r = v // _GROUPS
            g = v % _GROUPS
            x = buf[r, pl.ds(g * _L, _L)]
            t = (x - r0v) * sv
            b = t.astype(jnp.int32)
            idx = (b << 8) | (lane + g * _L)
            plsc.addupdate_scatter(acc_v, [idx], ones)

    copy(0, chunk0, sem0).start()
    copy(1, chunk1, sem1).start()

    def outer(ci2, carry):
        for b_, (buf, sem) in enumerate(((chunk0, sem0), (chunk1, sem1))):
            ci = ci2 * 2 + b_
            copy(ci, buf, sem).wait()
            process(buf)

            @pl.when(ci + 2 < _NCHUNKS)
            def _():
                copy(ci + 2, buf, sem).start()

        return carry

    lax.fori_loop(0, _NCHUNKS // 2, outer, None)
    pltpu.sync_copy(acc_v, out_hbm.at[wid])



_INV_LN2 = np.float32(1.0 / np.log(2.0))


def _entropy_body(parts_ref, pi_ref, mn_ref, mx_ref, out_ref):
    total = jnp.sum(parts_ref[...], axis=0, keepdims=True)
    ent = jnp.zeros((1, _K), jnp.float32)
    for b in range(_NB):
        d = total[:, b * _K:(b + 1) * _K] * np.float32(1.0 / _N)
        ent = ent - d * jnp.log(d + np.float32(1e-7))
    ixt = jnp.sum((1.0 - pi_ref[...]) * ent) * _INV_LN2
    out_ref[0, 0] = jnp.where(mx_ref[0, 0] > mn_ref[0, 0], ixt, 0.0)


def _entropy(parts, pi, mn, mx):
    return pl.pallas_call(
        _entropy_body,
        in_specs=[
            pl.BlockSpec((_TILES, _NE * _K), lambda: (0, 0)),
            pl.BlockSpec((1, _K), lambda: (0, 0)),
            pl.BlockSpec(memory_space=pltpu.SMEM),
            pl.BlockSpec(memory_space=pltpu.SMEM),
        ],
        out_specs=pl.BlockSpec(memory_space=pltpu.SMEM),
        out_shape=jax.ShapeDtypeStruct((1, 1), jnp.float32),
    )(parts, pi, mn, mx)




def kernel(mean_t, pi):
    mn, mx, params = _minmax(mean_t)
    parts = _hist(mean_t, params)
    return _entropy(parts, pi, mn, mx)[0]

# --- scband reference (transcript-rebuilt; emitter-appended) ---
"""Pipeline reference for scband-convex-ib-13185549599059 (READ-ONLY COPY).

The authoritative reference and input builder live on the scoring server;
editing this copy changes nothing except your own understanding.
"""

import jax, jax.numpy as jnp
import numpy as np

N = 131072
K = 256
N_BINS = 32


def hist_laxis(data, n_bins, r0, r1):
    # data: [K, N] (per-dimension rows)
    Nn = data.shape[-1]
    bins = jnp.linspace(r0, r1, n_bins + 1)
    data2D = data.reshape(-1, Nn)
    idx = jnp.searchsorted(bins, data2D, side='right') - 1
    bad_mask = (idx == -1) | (idx == n_bins)
    rows = data2D.shape[0]
    scaled_idx = n_bins * jnp.arange(rows)[:, None] + idx
    limit = n_bins * rows
    scaled_idx = jnp.where(bad_mask, limit, scaled_idx)
    counts = jnp.bincount(scaled_idx.ravel(), length=limit + 1)[:-1]
    counts = counts.reshape(data.shape[:-1] + (n_bins,)).astype(jnp.float32)
    return counts, bins[1] - bins[0]


def setup_inputs(seed: int = 0) -> dict:
    key = jax.random.key(seed)
    k1, k2 = jax.random.split(key)
    mean_t = jax.random.normal(k1, (N, K), dtype=jnp.float32)
    pi = jax.random.uniform(k2, (1, K), dtype=jnp.float32)
    return {"mean_t": mean_t, "pi": pi}


def reference(mean_t, pi):
    # Faithful translation of ConvexIB.get_IXT with method == 'drop_VIB'
    r0 = jnp.min(mean_t)
    r1 = jnp.max(mean_t)
    counts, width = hist_laxis(mean_t.T, N_BINS, r0, r1)  # [K, 32]
    counts = counts.T  # [32, K]
    density = counts / mean_t.shape[0]
    bin_entropy_est = (-density * jnp.log(density + 1e-07)).sum(axis=0)[None, :]  # [1, K]
    IXT = ((1.0 - pi) * bin_entropy_est).sum(axis=1) / np.log(2)  # [1]
    return IXT

if __name__ == "__main__":
    import jax
    _d = setup_inputs()
    print(jax.jit(kernel)(*tuple(_d.values())))

</pallas_src>

<mosaic_0001>
#map = affine_map<(d0, d1) -> (0, 0)>
module attributes {stable_mosaic.version = 14 : i64} {
  func.func @_hist(%arg0: i32, %arg1: i32, %arg2: memref<131072x256xf32, #tpu.memory_space<hbm>>, %arg3: memref<2x16xf32, #tpu.memory_space<hbm>>, %arg4: memref<32x8448xf32, #tpu.memory_space<hbm>>, %arg5: memref<128x256xf32, #tpu.memory_space<vmem>>, %arg6: memref<128x256xf32, #tpu.memory_space<vmem>>, %arg7: memref<2x16xf32, #tpu.memory_space<vmem>>, %arg8: memref<8448xf32, #tpu.memory_space<vmem>>, %arg9: memref<!tpu.dma_semaphore, #tpu.memory_space<semaphore_mem>>, %arg10: memref<!tpu.dma_semaphore, #tpu.memory_space<semaphore_mem>>) attributes {dimension_semantics = [#tpu.dimension_semantics<core_parallel>, #tpu.dimension_semantics<subcore_parallel>], iteration_bounds = array<i64: 2, 16>, scalar_prefetch = 0 : i64, scratch_operands = 6 : i64, tpu.core_type = #tpu.core_type<sc_vector_subcore>, window_params = [{transform_indices = #map}, {transform_indices = #map}, {transform_indices = #map}]} {
    %mul3A = arith.constant 2 : i32
    %mul3A_0 = arith.muli %arg1, %mul3A : i32
    %add3A = arith.addi %mul3A_0, %arg0 : i32
    "tpu.region"() ({
      %run_scoped3A = tpu.sem_alloc : memref<!tpu.dma_semaphore, #tpu.memory_space<semaphore_mem>>
      tpu.enqueue_dma source(%arg3 : memref<2x16xf32, #tpu.memory_space<hbm>>) target(%arg7 : memref<2x16xf32, #tpu.memory_space<vmem>>) target_semaphore(%run_scoped3A : memref<!tpu.dma_semaphore, #tpu.memory_space<semaphore_mem>>)
      tpu.wait_dma2 semaphore(%run_scoped3A : memref<!tpu.dma_semaphore, #tpu.memory_space<semaphore_mem>>) src(%arg3 : memref<2x16xf32, #tpu.memory_space<hbm>>) dst(%arg7 : memref<2x16xf32, #tpu.memory_space<vmem>>)
      tpu.yield
    }) : () -> ()
    %get3A = arith.constant 0 : i32
    %get3A_1 = arith.index_cast %get3A : i32 to index
    %get3A_2 = arith.constant 0 : index
    %get3A_3 = tpu.vector_load %arg7[%get3A_1, %get3A_2] {strides = array<i32>} : memref<2x16xf32, #tpu.memory_space<vmem>>, vector<16xf32>,
    %get3A_4 = arith.constant 1 : i32
    %get3A_5 = arith.index_cast %get3A_4 : i32 to index
    %get3A_6 = arith.constant 0 : index
    %get3A_7 = tpu.vector_load %arg7[%get3A_5, %get3A_6] {strides = array<i32>} : memref<2x16xf32, #tpu.memory_space<vmem>>, vector<16xf32>,
    %broadcast_in_dim3A = arith.constant 0.000000e+00 : f32
    %broadcast_in_dim3A_8 = vector.broadcast %broadcast_in_dim3A : f32 to vector<16xf32>
    %broadcast_in_dim3A_9 = arith.constant 1.000000e+00 : f32
    %broadcast_in_dim3A_10 = vector.broadcast %broadcast_in_dim3A_9 : f32 to vector<16xf32>
    %iota3A = tpu.iota {dimensions = array<i32: 0>} : vector<16xi32>
    %scan3A = arith.constant 0 : i32
    %scan3A_11 = arith.constant 33 : i32
    %scan3A_12 = arith.addi %scan3A, %scan3A_11 : i32
    %scan3A_13 = arith.constant 1 : i32
    scf.for %scan3A_35 = %scan3A to %scan3A_12 step %scan3A_13  : i32 {
      %mul3A_36 = arith.constant 256 : i32
      %mul3A_37 = arith.muli %scan3A_35, %mul3A_36 : i32
      %add3A_38 = arith.constant 0 : i32
      %add3A_39 = arith.addi %mul3A_37, %add3A_38 : i32
      %swap3A = arith.index_cast %add3A_39 : i32 to index
      %swap3A_40 = tpu.vector_load %arg8[%swap3A] {strides = array<i32>} : memref<8448xf32, #tpu.memory_space<vmem>>, vector<16xf32>,
      tpu.vector_store %arg8[%swap3A], %broadcast_in_dim3A_8 {strides = array<i32>} : memref<8448xf32, #tpu.memory_space<vmem>>, vector<16xf32>,
      %mul3A_41 = arith.constant 256 : i32
      %mul3A_42 = arith.muli %scan3A_35, %mul3A_41 : i32
      %add3A_43 = arith.constant 16 : i32
      %add3A_44 = arith.addi %mul3A_42, %add3A_43 : i32
      %swap3A_45 = arith.index_cast %add3A_44 : i32 to index
      %swap3A_46 = tpu.vector_load %arg8[%swap3A_45] {strides = array<i32>} : memref<8448xf32, #tpu.memory_space<vmem>>, vector<16xf32>,
      tpu.vector_store %arg8[%swap3A_45], %broadcast_in_dim3A_8 {strides = array<i32>} : memref<8448xf32, #tpu.memory_space<vmem>>, vector<16xf32>,
      %mul3A_47 = arith.constant 256 : i32
      %mul3A_48 = arith.muli %scan3A_35, %mul3A_47 : i32
      %add3A_49 = arith.constant 32 : i32
      %add3A_50 = arith.addi %mul3A_48, %add3A_49 : i32
      %swap3A_51 = arith.index_cast %add3A_50 : i32 to index
      %swap3A_52 = tpu.vector_load %arg8[%swap3A_51] {strides = array<i32>} : memref<8448xf32, #tpu.memory_space<vmem>>, vector<16xf32>,
      tpu.vector_store %arg8[%swap3A_51], %broadcast_in_dim3A_8 {strides = array<i32>} : memref<8448xf32, #tpu.memory_space<vmem>>, vector<16xf32>,
      %mul3A_53 = arith.constant 256 : i32
      %mul3A_54 = arith.muli %scan3A_35, %mul3A_53 : i32
      %add3A_55 = arith.constant 48 : i32
      %add3A_56 = arith.addi %mul3A_54, %add3A_55 : i32
      %swap3A_57 = arith.index_cast %add3A_56 : i32 to index
      %swap3A_58 = tpu.vector_load %arg8[%swap3A_57] {strides = array<i32>} : memref<8448xf32, #tpu.memory_space<vmem>>, vector<16xf32>,
      tpu.vector_store %arg8[%swap3A_57], %broadcast_in_dim3A_8 {strides = array<i32>} : memref<8448xf32, #tpu.memory_space<vmem>>, vector<16xf32>,
      %mul3A_59 = arith.constant 256 : i32
      %mul3A_60 = arith.muli %scan3A_35, %mul3A_59 : i32
      %add3A_61 = arith.constant 64 : i32
      %add3A_62 = arith.addi %mul3A_60, %add3A_61 : i32
      %swap3A_63 = arith.index_cast %add3A_62 : i32 to index
      %swap3A_64 = tpu.vector_load %arg8[%swap3A_63] {strides = array<i32>} : memref<8448xf32, #tpu.memory_space<vmem>>, vector<16xf32>,
      tpu.vector_store %arg8[%swap3A_63], %broadcast_in_dim3A_8 {strides = array<i32>} : memref<8448xf32, #tpu.memory_space<vmem>>, vector<16xf32>,
      %mul3A_65 = arith.constant 256 : i32
      %mul3A_66 = arith.muli %scan3A_35, %mul3A_65 : i32
      %add3A_67 = arith.constant 80 : i32
      %add3A_68 = arith.addi %mul3A_66, %add3A_67 : i32
      %swap3A_69 = arith.index_cast %add3A_68 : i32 to index
      %swap3A_70 = tpu.vector_load %arg8[%swap3A_69] {strides = array<i32>} : memref<8448xf32, #tpu.memory_space<vmem>>, vector<16xf32>,
      tpu.vector_store %arg8[%swap3A_69], %broadcast_in_dim3A_8 {strides = array<i32>} : memref<8448xf32, #tpu.memory_space<vmem>>, vector<16xf32>,
      %mul3A_71 = arith.constant 256 : i32
      %mul3A_72 = arith.muli %scan3A_35, %mul3A_71 : i32
      %add3A_73 = arith.constant 96 : i32
      %add3A_74 = arith.addi %mul3A_72, %add3A_73 : i32
      %swap3A_75 = arith.index_cast %add3A_74 : i32 to index
      %swap3A_76 = tpu.vector_load %arg8[%swap3A_75] {strides = array<i32>} : memref<8448xf32, #tpu.memory_space<vmem>>, vector<16xf32>,
      tpu.vector_store %arg8[%swap3A_75], %broadcast_in_dim3A_8 {strides = array<i32>} : memref<8448xf32, #tpu.memory_space<vmem>>, vector<16xf32>,
      %mul3A_77 = arith.constant 256 : i32
      %mul3A_78 = arith.muli %scan3A_35, %mul3A_77 : i32
      %add3A_79 = arith.constant 112 : i32
      %add3A_80 = arith.addi %mul3A_78, %add3A_79 : i32
      %swap3A_81 = arith.index_cast %add3A_80 : i32 to index
      %swap3A_82 = tpu.vector_load %arg8[%swap3A_81] {strides = array<i32>} : memref<8448xf32, #tpu.memory_space<vmem>>, vector<16xf32>,
      tpu.vector_store %arg8[%swap3A_81], %broadcast_in_dim3A_8 {strides = array<i32>} : memref<8448xf32, #tpu.memory_space<vmem>>, vector<16xf32>,
      %mul3A_83 = arith.constant 256 : i32
      %mul3A_84 = arith.muli %scan3A_35, %mul3A_83 : i32
      %add3A_85 = arith.constant 128 : i32
      %add3A_86 = arith.addi %mul3A_84, %add3A_85 : i32
      %swap3A_87 = arith.index_cast %add3A_86 : i32 to index
      %swap3A_88 = tpu.vector_load %arg8[%swap3A_87] {strides = array<i32>} : memref<8448xf32, #tpu.memory_space<vmem>>, vector<16xf32>,
      tpu.vector_store %arg8[%swap3A_87], %broadcast_in_dim3A_8 {strides = array<i32>} : memref<8448xf32, #tpu.memory_space<vmem>>, vector<16xf32>,
      %mul3A_89 = arith.constant 256 : i32
      %mul3A_90 = arith.muli %scan3A_35, %mul3A_89 : i32
      %add3A_91 = arith.constant 144 : i32
      %add3A_92 = arith.addi %mul3A_90, %add3A_91 : i32
      %swap3A_93 = arith.index_cast %add3A_92 : i32 to index
      %swap3A_94 = tpu.vector_load %arg8[%swap3A_93] {strides = array<i32>} : memref<8448xf32, #tpu.memory_space<vmem>>, vector<16xf32>,
      tpu.vector_store %arg8[%swap3A_93], %broadcast_in_dim3A_8 {strides = array<i32>} : memref<8448xf32, #tpu.memory_space<vmem>>, vector<16xf32>,
      %mul3A_95 = arith.constant 256 : i32
      %mul3A_96 = arith.muli %scan3A_35, %mul3A_95 : i32
      %add3A_97 = arith.constant 160 : i32
      %add3A_98 = arith.addi %mul3A_96, %add3A_97 : i32
      %swap3A_99 = arith.index_cast %add3A_98 : i32 to index
      %swap3A_100 = tpu.vector_load %arg8[%swap3A_99] {strides = array<i32>} : memref<8448xf32, #tpu.memory_space<vmem>>, vector<16xf32>,
      tpu.vector_store %arg8[%swap3A_99], %broadcast_in_dim3A_8 {strides = array<i32>} : memref<8448xf32, #tpu.memory_space<vmem>>, vector<16xf32>,
      %mul3A_101 = arith.constant 256 : i32
      %mul3A_102 = arith.muli %scan3A_35, %mul3A_101 : i32
      %add3A_103 = arith.constant 176 : i32
      %add3A_104 = arith.addi %mul3A_102, %add3A_103 : i32
      %swap3A_105 = arith.index_cast %add3A_104 : i32 to index
      %swap3A_106 = tpu.vector_load %arg8[%swap3A_105] {strides = array<i32>} : memref<8448xf32, #tpu.memory_space<vmem>>, vector<16xf32>,
      tpu.vector_store %arg8[%swap3A_105], %broadcast_in_dim3A_8 {strides = array<i32>} : memref<8448xf32, #tpu.memory_space<vmem>>, vector<16xf32>,
      %mul3A_107 = arith.constant 256 : i32
      %mul3A_108 = arith.muli %scan3A_35, %mul3A_107 : i32
      %add3A_109 = arith.constant 192 : i32
      %add3A_110 = arith.addi %mul3A_108, %add3A_109 : i32
      %swap3A_111 = arith.index_cast %add3A_110 : i32 to index
      %swap3A_112 = tpu.vector_load %arg8[%swap3A_111] {strides = array<i32>} : memref<8448xf32, #tpu.memory_space<vmem>>, vector<16xf32>,
      tpu.vector_store %arg8[%swap3A_111], %broadcast_in_dim3A_8 {strides = array<i32>} : memref<8448xf32, #tpu.memory_space<vmem>>, vector<16xf32>,
      %mul3A_113 = arith.constant 256 : i32
      %mul3A_114 = arith.muli %scan3A_35, %mul3A_113 : i32
      %add3A_115 = arith.constant 208 : i32
      %add3A_116 = arith.addi %mul3A_114, %add3A_115 : i32
      %swap3A_117 = arith.index_cast %add3A_116 : i32 to index
      %swap3A_118 = tpu.vector_load %arg8[%swap3A_117] {strides = array<i32>} : memref<8448xf32, #tpu.memory_space<vmem>>, vector<16xf32>,
      tpu.vector_store %arg8[%swap3A_117], %broadcast_in_dim3A_8 {strides = array<i32>} : memref<8448xf32, #tpu.memory_space<vmem>>, vector<16xf32>,
      %mul3A_119 = arith.constant 256 : i32
      %mul3A_120 = arith.muli %scan3A_35, %mul3A_119 : i32
      %add3A_121 = arith.constant 224 : i32
      %add3A_122 = arith.addi %mul3A_120, %add3A_121 : i32
      %swap3A_123 = arith.index_cast %add3A_122 : i32 to index
      %swap3A_124 = tpu.vector_load %arg8[%swap3A_123] {strides = array<i32>} : memref<8448xf32, #tpu.memory_space<vmem>>, vector<16xf32>,
      tpu.vector_store %arg8[%swap3A_123], %broadcast_in_dim3A_8 {strides = array<i32>} : memref<8448xf32, #tpu.memory_space<vmem>>, vector<16xf32>,
      %mul3A_125 = arith.constant 256 : i32
      %mul3A_126 = arith.muli %scan3A_35, %mul3A_125 : i32
      %add3A_127 = arith.constant 240 : i32
      %add3A_128 = arith.addi %mul3A_126, %add3A_127 : i32
      %swap3A_129 = arith.index_cast %add3A_128 : i32 to index
      %swap3A_130 = tpu.vector_load %arg8[%swap3A_129] {strides = array<i32>} : memref<8448xf32, #tpu.memory_space<vmem>>, vector<16xf32>,
      tpu.vector_store %arg8[%swap3A_129], %broadcast_in_dim3A_8 {strides = array<i32>} : memref<8448xf32, #tpu.memory_space<vmem>>, vector<16xf32>,
    }
    %scan3A_14 = arith.constant 33 : i32
    %mul3A_15 = arith.constant 4096 : i32
    %mul3A_16 = arith.muli %add3A, %mul3A_15 : i32
    %add3A_17 = arith.constant 0 : i32
    %add3A_18 = arith.addi %mul3A_16, %add3A_17 : i32
    %dma_start3A = arith.constant 0 : i32
    %dma_start3A_19 = tpu.memref_slice %arg2[%add3A_18, %dma_start3A] : memref<131072x256xf32, #tpu.memory_space<hbm>> -> memref<128x256xf32, #tpu.memory_space<hbm>>
    %dma_start3A_20 = arith.constant 0 : i32
    %dma_start3A_21 = tpu.memref_slice %arg2[%add3A_18, %dma_start3A_20] : memref<131072x256xf32, #tpu.memory_space<hbm>> -> memref<128x256xf32, #tpu.memory_space<hbm>>
    tpu.enqueue_dma source(%dma_start3A_21 : memref<128x256xf32, #tpu.memory_space<hbm>>) target(%arg5 : memref<128x256xf32, #tpu.memory_space<vmem>>) target_semaphore(%arg9 : memref<!tpu.dma_semaphore, #tpu.memory_space<semaphore_mem>>)
    %mul3A_22 = arith.constant 4096 : i32
    %mul3A_23 = arith.muli %add3A, %mul3A_22 : i32
    %add3A_24 = arith.constant 128 : i32
    %add3A_25 = arith.addi %mul3A_23, %add3A_24 : i32
    %dma_start3A_26 = arith.constant 0 : i32
    %dma_start3A_27 = tpu.memref_slice %arg2[%add3A_25, %dma_start3A_26] : memref<131072x256xf32, #tpu.memory_space<hbm>> -> memref<128x256xf32, #tpu.memory_space<hbm>>
    %dma_start3A_28 = arith.constant 0 : i32
    %dma_start3A_29 = tpu.memref_slice %arg2[%add3A_25, %dma_start3A_28] : memref<131072x256xf32, #tpu.memory_space<hbm>> -> memref<128x256xf32, #tpu.memory_space<hbm>>
    tpu.enqueue_dma source(%dma_start3A_29 : memref<128x256xf32, #tpu.memory_space<hbm>>) target(%arg6 : memref<128x256xf32, #tpu.memory_space<vmem>>) target_semaphore(%arg10 : memref<!tpu.dma_semaphore, #tpu.memory_space<semaphore_mem>>)
    %scan3A_30 = arith.constant 0 : i32
    %scan3A_31 = arith.constant 16 : i32
    %scan3A_32 = arith.addi %scan3A_30, %scan3A_31 : i32
    %scan3A_33 = arith.constant 1 : i32
    scf.for %scan3A_35 = %scan3A_30 to %scan3A_32 step %scan3A_33  : i32 {
      %mul3A_36 = arith.constant 2 : i32
      %mul3A_37 = arith.muli %scan3A_35, %mul3A_36 : i32
      %add3A_38 = arith.constant 0 : i32
      %add3A_39 = arith.addi %mul3A_37, %add3A_38 : i32
      %mul3A_40 = arith.constant 4096 : i32
      %mul3A_41 = arith.muli %add3A, %mul3A_40 : i32
      %mul3A_42 = arith.constant 128 : i32
      %mul3A_43 = arith.muli %add3A_39, %mul3A_42 : i32
      %add3A_44 = arith.addi %mul3A_41, %mul3A_43 : i32
      %dma_wait3A = arith.constant 0 : i32
      %dma_wait3A_45 = tpu.memref_slice %arg2[%add3A_44, %dma_wait3A] : memref<131072x256xf32, #tpu.memory_space<hbm>> -> memref<128x256xf32, #tpu.memory_space<hbm>>
      %dma_wait3A_46 = arith.constant 0 : i32
      %dma_wait3A_47 = tpu.memref_slice %arg2[%add3A_44, %dma_wait3A_46] : memref<131072x256xf32, #tpu.memory_space<hbm>> -> memref<128x256xf32, #tpu.memory_space<hbm>>
      tpu.wait_dma2 semaphore(%arg9 : memref<!tpu.dma_semaphore, #tpu.memory_space<semaphore_mem>>) src(%dma_wait3A_47 : memref<128x256xf32, #tpu.memory_space<hbm>>) dst(%arg5 : memref<128x256xf32, #tpu.memory_space<vmem>>)
      %parallel_loop3A = arith.constant 0 : i32
      %parallel_loop3A_48 = arith.constant 2048 : i32
      %parallel_loop3A_49 = arith.constant 1 : i32
      scf.for %parallel_loop3A_77 = %parallel_loop3A to %parallel_loop3A_48 step %parallel_loop3A_49  : i32 {
        %parallel_loop3A_78 = arith.constant 16 : i32
        %parallel_loop3A_79 = arith.divsi %parallel_loop3A_77, %parallel_loop3A_78 : i32
        %parallel_loop3A_80 = arith.constant 0 : i32
        %parallel_loop3A_81 = arith.cmpi sgt, %parallel_loop3A_77, %parallel_loop3A_80 : i32
        %parallel_loop3A_82 = arith.extui %parallel_loop3A_81 : i1 to i32
        %parallel_loop3A_83 = arith.constant 0 : i32
        %parallel_loop3A_84 = arith.cmpi slt, %parallel_loop3A_77, %parallel_loop3A_83 : i32
        %parallel_loop3A_85 = arith.extui %parallel_loop3A_84 : i1 to i32
        %parallel_loop3A_86 = arith.subi %parallel_loop3A_82, %parallel_loop3A_85 : i32
        %parallel_loop3A_87 = arith.constant 0 : i32
        %parallel_loop3A_88 = arith.cmpi sgt, %parallel_loop3A_78, %parallel_loop3A_87 : i32
        %parallel_loop3A_89 = arith.extui %parallel_loop3A_88 : i1 to i32
        %parallel_loop3A_90 = arith.constant 0 : i32
        %parallel_loop3A_91 = arith.cmpi slt, %parallel_loop3A_78, %parallel_loop3A_90 : i32
        %parallel_loop3A_92 = arith.extui %parallel_loop3A_91 : i1 to i32
        %parallel_loop3A_93 = arith.subi %parallel_loop3A_89, %parallel_loop3A_92 : i32
        %parallel_loop3A_94 = arith.cmpi ne, %parallel_loop3A_86, %parallel_loop3A_93 : i32
        %parallel_loop3A_95 = arith.remsi %parallel_loop3A_77, %parallel_loop3A_78 : i32
        %parallel_loop3A_96 = arith.constant 0 : i32
        %parallel_loop3A_97 = arith.cmpi ne, %parallel_loop3A_95, %parallel_loop3A_96 : i32
        %parallel_loop3A_98 = arith.andi %parallel_loop3A_94, %parallel_loop3A_97 : i1
        %parallel_loop3A_99 = arith.constant 1 : i32
        %parallel_loop3A_100 = arith.subi %parallel_loop3A_79, %parallel_loop3A_99 : i32
        %parallel_loop3A_101 = arith.select %parallel_loop3A_98, %parallel_loop3A_100, %parallel_loop3A_79 : i32
        %parallel_loop3A_102 = arith.constant 16 : i32
        %parallel_loop3A_103 = arith.constant 0 : i32
        %parallel_loop3A_104 = arith.cmpi eq, %parallel_loop3A_102, %parallel_loop3A_103 : i32
        %parallel_loop3A_105 = arith.constant 1 : i32
        %parallel_loop3A_106 = arith.select %parallel_loop3A_104, %parallel_loop3A_105, %parallel_loop3A_102 : i32
        %parallel_loop3A_107 = arith.remsi %parallel_loop3A_77, %parallel_loop3A_106 : i32
        %parallel_loop3A_108 = arith.constant 0 : i32
        %parallel_loop3A_109 = arith.cmpi ne, %parallel_loop3A_107, %parallel_loop3A_108 : i32
        %parallel_loop3A_110 = arith.constant 0 : i32
        %parallel_loop3A_111 = arith.cmpi slt, %parallel_loop3A_107, %parallel_loop3A_110 : i32
        %parallel_loop3A_112 = arith.constant 0 : i32
        %parallel_loop3A_113 = arith.cmpi slt, %parallel_loop3A_106, %parallel_loop3A_112 : i32
        %parallel_loop3A_114 = arith.xori %parallel_loop3A_111, %parallel_loop3A_113 : i1
        %parallel_loop3A_115 = arith.andi %parallel_loop3A_114, %parallel_loop3A_109 : i1
        %parallel_loop3A_116 = arith.addi %parallel_loop3A_107, %parallel_loop3A_106 : i32
        %parallel_loop3A_117 = arith.select %parallel_loop3A_115, %parallel_loop3A_116, %parallel_loop3A_107 : i32
        %parallel_loop3A_118 = arith.constant 16 : i32
        %parallel_loop3A_119 = arith.muli %parallel_loop3A_117, %parallel_loop3A_118 : i32
        %parallel_loop3A_120 = arith.index_cast %parallel_loop3A_101 : i32 to index
        %parallel_loop3A_121 = arith.index_cast %parallel_loop3A_119 : i32 to index
        %parallel_loop3A_122 = tpu.vector_load %arg5[%parallel_loop3A_120, %parallel_loop3A_121] {strides = array<i32>} : memref<128x256xf32, #tpu.memory_space<vmem>>, vector<16xf32>,
        %parallel_loop3A_123 = arith.subf %parallel_loop3A_122, %get3A_3 : vector<16xf32>
        %parallel_loop3A_124 = arith.mulf %parallel_loop3A_123, %get3A_7 : vector<16xf32>
        %parallel_loop3A_125 = arith.fptosi %parallel_loop3A_124 : vector<16xf32> to vector<16xi32>
        %parallel_loop3A_126 = arith.constant 8 : i32
        %parallel_loop3A_127 = vector.broadcast %parallel_loop3A_126 : i32 to vector<16xi32>
        %parallel_loop3A_128 = arith.shli %parallel_loop3A_125, %parallel_loop3A_127 : vector<16xi32>
        %parallel_loop3A_129 = arith.constant 16 : i32
        %parallel_loop3A_130 = arith.muli %parallel_loop3A_117, %parallel_loop3A_129 : i32
        %parallel_loop3A_131 = vector.broadcast %parallel_loop3A_130 : i32 to vector<16xi32>
        %parallel_loop3A_132 = arith.addi %iota3A, %parallel_loop3A_131 : vector<16xi32>
        %parallel_loop3A_133 = arith.ori %parallel_loop3A_128, %parallel_loop3A_132 : vector<16xi32>
        tpu.vector_store_idx %arg8[%parallel_loop3A_133], %broadcast_in_dim3A_10 {add = true} : memref<8448xf32, #tpu.memory_space<vmem>>[vector<16xi32>], vector<16xf32>,
      } {sc.loop_unroll_factor = 16 : i64, sc.parallel_access}
      %add3A_50 = arith.constant 2 : i32
      %add3A_51 = arith.addi %add3A_39, %add3A_50 : i32
      %lt3A = arith.constant 32 : i32
      %lt3A_52 = arith.cmpi slt, %add3A_51, %lt3A : i32
      %convert_element_type3A = arith.extui %lt3A_52 : i1 to i32
      %cond3A = arith.constant 0 : i32
      %cond3A_53 = arith.cmpi ne, %convert_element_type3A, %cond3A : i32
      scf.if %cond3A_53 {
        %add3A_77 = arith.constant 2 : i32
        %add3A_78 = arith.addi %add3A_39, %add3A_77 : i32
        %mul3A_79 = arith.constant 4096 : i32
        %mul3A_80 = arith.muli %add3A, %mul3A_79 : i32
        %mul3A_81 = arith.constant 128 : i32
        %mul3A_82 = arith.muli %add3A_78, %mul3A_81 : i32
        %add3A_83 = arith.addi %mul3A_80, %mul3A_82 : i32
        %dma_start3A_84 = arith.constant 0 : i32
        %dma_start3A_85 = tpu.memref_slice %arg2[%add3A_83, %dma_start3A_84] : memref<131072x256xf32, #tpu.memory_space<hbm>> -> memref<128x256xf32, #tpu.memory_space<hbm>>
        %dma_start3A_86 = arith.constant 0 : i32
        %dma_start3A_87 = tpu.memref_slice %arg2[%add3A_83, %dma_start3A_86] : memref<131072x256xf32, #tpu.memory_space<hbm>> -> memref<128x256xf32, #tpu.memory_space<hbm>>
        tpu.enqueue_dma source(%dma_start3A_87 : memref<128x256xf32, #tpu.memory_space<hbm>>) target(%arg5 : memref<128x256xf32, #tpu.memory_space<vmem>>) target_semaphore(%arg9 : memref<!tpu.dma_semaphore, #tpu.memory_space<semaphore_mem>>)
      } else {
      }
      %mul3A_54 = arith.constant 2 : i32
      %mul3A_55 = arith.muli %scan3A_35, %mul3A_54 : i32
      %add3A_56 = arith.constant 1 : i32
      %add3A_57 = arith.addi %mul3A_55, %add3A_56 : i32
      %mul3A_58 = arith.constant 4096 : i32
      %mul3A_59 = arith.muli %add3A, %mul3A_58 : i32
      %mul3A_60 = arith.constant 128 : i32
      %mul3A_61 = arith.muli %add3A_57, %mul3A_60 : i32
      %add3A_62 = arith.addi %mul3A_59, %mul3A_61 : i32
      %dma_wait3A_63 = arith.constant 0 : i32
      %dma_wait3A_64 = tpu.memref_slice %arg2[%add3A_62, %dma_wait3A_63] : memref<131072x256xf32, #tpu.memory_space<hbm>> -> memref<128x256xf32, #tpu.memory_space<hbm>>
      %dma_wait3A_65 = arith.constant 0 : i32
      %dma_wait3A_66 = tpu.memref_slice %arg2[%add3A_62, %dma_wait3A_65] : memref<131072x256xf32, #tpu.memory_space<hbm>> -> memref<128x256xf32, #tpu.memory_space<hbm>>
      tpu.wait_dma2 semaphore(%arg10 : memref<!tpu.dma_semaphore, #tpu.memory_space<semaphore_mem>>) src(%dma_wait3A_66 : memref<128x256xf32, #tpu.memory_space<hbm>>) dst(%arg6 : memref<128x256xf32, #tpu.memory_space<vmem>>)
      %parallel_loop3A_67 = arith.constant 0 : i32
      %parallel_loop3A_68 = arith.constant 2048 : i32
      %parallel_loop3A_69 = arith.constant 1 : i32
      scf.for %parallel_loop3A_77 = %parallel_loop3A_67 to %parallel_loop3A_68 step %parallel_loop3A_69  : i32 {
        %parallel_loop3A_78 = arith.constant 16 : i32
        %parallel_loop3A_79 = arith.divsi %parallel_loop3A_77, %parallel_loop3A_78 : i32
        %parallel_loop3A_80 = arith.constant 0 : i32
        %parallel_loop3A_81 = arith.cmpi sgt, %parallel_loop3A_77, %parallel_loop3A_80 : i32
        %parallel_loop3A_82 = arith.extui %parallel_loop3A_81 : i1 to i32
        %parallel_loop3A_83 = arith.constant 0 : i32
        %parallel_loop3A_84 = arith.cmpi slt, %parallel_loop3A_77, %parallel_loop3A_83 : i32
        %parallel_loop3A_85 = arith.extui %parallel_loop3A_84 : i1 to i32
        %parallel_loop3A_86 = arith.subi %parallel_loop3A_82, %parallel_loop3A_85 : i32
        %parallel_loop3A_87 = arith.constant 0 : i32
        %parallel_loop3A_88 = arith.cmpi sgt, %parallel_loop3A_78, %parallel_loop3A_87 : i32
        %parallel_loop3A_89 = arith.extui %parallel_loop3A_88 : i1 to i32
        %parallel_loop3A_90 = arith.constant 0 : i32
        %parallel_loop3A_91 = arith.cmpi slt, %parallel_loop3A_78, %parallel_loop3A_90 : i32
        %parallel_loop3A_92 = arith.extui %parallel_loop3A_91 : i1 to i32
        %parallel_loop3A_93 = arith.subi %parallel_loop3A_89, %parallel_loop3A_92 : i32
        %parallel_loop3A_94 = arith.cmpi ne, %parallel_loop3A_86, %parallel_loop3A_93 : i32
        %parallel_loop3A_95 = arith.remsi %parallel_loop3A_77, %parallel_loop3A_78 : i32
        %parallel_loop3A_96 = arith.constant 0 : i32
        %parallel_loop3A_97 = arith.cmpi ne, %parallel_loop3A_95, %parallel_loop3A_96 : i32
        %parallel_loop3A_98 = arith.andi %parallel_loop3A_94, %parallel_loop3A_97 : i1
        %parallel_loop3A_99 = arith.constant 1 : i32
        %parallel_loop3A_100 = arith.subi %parallel_loop3A_79, %parallel_loop3A_99 : i32
        %parallel_loop3A_101 = arith.select %parallel_loop3A_98, %parallel_loop3A_100, %parallel_loop3A_79 : i32
        %parallel_loop3A_102 = arith.constant 16 : i32
        %parallel_loop3A_103 = arith.constant 0 : i32
        %parallel_loop3A_104 = arith.cmpi eq, %parallel_loop3A_102, %parallel_loop3A_103 : i32
        %parallel_loop3A_105 = arith.constant 1 : i32
        %parallel_loop3A_106 = arith.select %parallel_loop3A_104, %parallel_loop3A_105, %parallel_loop3A_102 : i32
        %parallel_loop3A_107 = arith.remsi %parallel_loop3A_77, %parallel_loop3A_106 : i32
        %parallel_loop3A_108 = arith.constant 0 : i32
        %parallel_loop3A_109 = arith.cmpi ne, %parallel_loop3A_107, %parallel_loop3A_108 : i32
        %parallel_loop3A_110 = arith.constant 0 : i32
        %parallel_loop3A_111 = arith.cmpi slt, %parallel_loop3A_107, %parallel_loop3A_110 : i32
        %parallel_loop3A_112 = arith.constant 0 : i32
        %parallel_loop3A_113 = arith.cmpi slt, %parallel_loop3A_106, %parallel_loop3A_112 : i32
        %parallel_loop3A_114 = arith.xori %parallel_loop3A_111, %parallel_loop3A_113 : i1
        %parallel_loop3A_115 = arith.andi %parallel_loop3A_114, %parallel_loop3A_109 : i1
        %parallel_loop3A_116 = arith.addi %parallel_loop3A_107, %parallel_loop3A_106 : i32
        %parallel_loop3A_117 = arith.select %parallel_loop3A_115, %parallel_loop3A_116, %parallel_loop3A_107 : i32
        %parallel_loop3A_118 = arith.constant 16 : i32
        %parallel_loop3A_119 = arith.muli %parallel_loop3A_117, %parallel_loop3A_118 : i32
        %parallel_loop3A_120 = arith.index_cast %parallel_loop3A_101 : i32 to index
        %parallel_loop3A_121 = arith.index_cast %parallel_loop3A_119 : i32 to index
        %parallel_loop3A_122 = tpu.vector_load %arg6[%parallel_loop3A_120, %parallel_loop3A_121] {strides = array<i32>} : memref<128x256xf32, #tpu.memory_space<vmem>>, vector<16xf32>,
        %parallel_loop3A_123 = arith.subf %parallel_loop3A_122, %get3A_3 : vector<16xf32>
        %parallel_loop3A_124 = arith.mulf %parallel_loop3A_123, %get3A_7 : vector<16xf32>
        %parallel_loop3A_125 = arith.fptosi %parallel_loop3A_124 : vector<16xf32> to vector<16xi32>
        %parallel_loop3A_126 = arith.constant 8 : i32
        %parallel_loop3A_127 = vector.broadcast %parallel_loop3A_126 : i32 to vector<16xi32>
        %parallel_loop3A_128 = arith.shli %parallel_loop3A_125, %parallel_loop3A_127 : vector<16xi32>
        %parallel_loop3A_129 = arith.constant 16 : i32
        %parallel_loop3A_130 = arith.muli %parallel_loop3A_117, %parallel_loop3A_129 : i32
        %parallel_loop3A_131 = vector.broadcast %parallel_loop3A_130 : i32 to vector<16xi32>
        %parallel_loop3A_132 = arith.addi %iota3A, %parallel_loop3A_131 : vector<16xi32>
        %parallel_loop3A_133 = arith.ori %parallel_loop3A_128, %parallel_loop3A_132 : vector<16xi32>
        tpu.vector_store_idx %arg8[%parallel_loop3A_133], %broadcast_in_dim3A_10 {add = true} : memref<8448xf32, #tpu.memory_space<vmem>>[vector<16xi32>], vector<16xf32>,
      } {sc.loop_unroll_factor = 16 : i64, sc.parallel_access}
      %add3A_70 = arith.constant 2 : i32
      %add3A_71 = arith.addi %add3A_57, %add3A_70 : i32
      %lt3A_72 = arith.constant 32 : i32
      %lt3A_73 = arith.cmpi slt, %add3A_71, %lt3A_72 : i32
      %convert_element_type3A_74 = arith.extui %lt3A_73 : i1 to i32
      %cond3A_75 = arith.constant 0 : i32
      %cond3A_76 = arith.cmpi ne, %convert_element_type3A_74, %cond3A_75 : i32
      scf.if %cond3A_76 {
        %add3A_77 = arith.constant 2 : i32
        %add3A_78 = arith.addi %add3A_57, %add3A_77 : i32
        %mul3A_79 = arith.constant 4096 : i32
        %mul3A_80 = arith.muli %add3A, %mul3A_79 : i32
        %mul3A_81 = arith.constant 128 : i32
        %mul3A_82 = arith.muli %add3A_78, %mul3A_81 : i32
        %add3A_83 = arith.addi %mul3A_80, %mul3A_82 : i32
        %dma_start3A_84 = arith.constant 0 : i32
        %dma_start3A_85 = tpu.memref_slice %arg2[%add3A_83, %dma_start3A_84] : memref<131072x256xf32, #tpu.memory_space<hbm>> -> memref<128x256xf32, #tpu.memory_space<hbm>>
        %dma_start3A_86 = arith.constant 0 : i32
        %dma_start3A_87 = tpu.memref_slice %arg2[%add3A_83, %dma_start3A_86] : memref<131072x256xf32, #tpu.memory_space<hbm>> -> memref<128x256xf32, #tpu.memory_space<hbm>>
        tpu.enqueue_dma source(%dma_start3A_87 : memref<128x256xf32, #tpu.memory_space<hbm>>) target(%arg6 : memref<128x256xf32, #tpu.memory_space<vmem>>) target_semaphore(%arg10 : memref<!tpu.dma_semaphore, #tpu.memory_space<semaphore_mem>>)
      } else {
      }
    }
    %scan3A_34 = arith.constant 16 : i32
    "tpu.region"() ({
      %run_scoped3A = tpu.sem_alloc : memref<!tpu.dma_semaphore, #tpu.memory_space<semaphore_mem>>
      %dma_start3A_35 = arith.constant 0 : i32
      %dma_start3A_36 = tpu.memref_slice %arg4[%add3A, %dma_start3A_35] : memref<32x8448xf32, #tpu.memory_space<hbm>> -> memref<1x8448xf32, #tpu.memory_space<hbm>>
      %dma_start3A_37 = tpu.memref_squeeze %dma_start3A_36 : memref<1x8448xf32, #tpu.memory_space<hbm>> -> memref<8448xf32, #tpu.memory_space<hbm>>
      %dma_start3A_38 = arith.constant 0 : i32
      %dma_start3A_39 = tpu.memref_slice %arg4[%add3A, %dma_start3A_38] : memref<32x8448xf32, #tpu.memory_space<hbm>> -> memref<1x8448xf32, #tpu.memory_space<hbm>>
      %dma_start3A_40 = tpu.memref_squeeze %dma_start3A_39 : memref<1x8448xf32, #tpu.memory_space<hbm>> -> memref<8448xf32, #tpu.memory_space<hbm>>
      tpu.enqueue_dma source(%arg8 : memref<8448xf32, #tpu.memory_space<vmem>>) target(%dma_start3A_40 : memref<8448xf32, #tpu.memory_space<hbm>>) target_semaphore(%run_scoped3A : memref<!tpu.dma_semaphore, #tpu.memory_space<semaphore_mem>>)
      %dma_wait3A = arith.constant 0 : i32
      %dma_wait3A_41 = tpu.memref_slice %arg4[%add3A, %dma_wait3A] : memref<32x8448xf32, #tpu.memory_space<hbm>> -> memref<1x8448xf32, #tpu.memory_space<hbm>>
      %dma_wait3A_42 = tpu.memref_squeeze %dma_wait3A_41 : memref<1x8448xf32, #tpu.memory_space<hbm>> -> memref<8448xf32, #tpu.memory_space<hbm>>
      %dma_wait3A_43 = arith.constant 0 : i32
      %dma_wait3A_44 = tpu.memref_slice %arg4[%add3A, %dma_wait3A_43] : memref<32x8448xf32, #tpu.memory_space<hbm>> -> memref<1x8448xf32, #tpu.memory_space<hbm>>
      %dma_wait3A_45 = tpu.memref_squeeze %dma_wait3A_44 : memref<1x8448xf32, #tpu.memory_space<hbm>> -> memref<8448xf32, #tpu.memory_space<hbm>>
      tpu.wait_dma2 semaphore(%run_scoped3A : memref<!tpu.dma_semaphore, #tpu.memory_space<semaphore_mem>>) src(%arg8 : memref<8448xf32, #tpu.memory_space<vmem>>) dst(%dma_wait3A_45 : memref<8448xf32, #tpu.memory_space<hbm>>)
      tpu.yield
    }) : () -> ()
    return
  }
}

module attributes {stable_mosaic.version = 14 : i64} {
  func.func @_minmax_body(%arg0: i32, %arg1: memref<16384x256xf32, #tpu.memory_space<vmem>>, %arg2: memref<1x1xf32, #tpu.memory_space<smem>>, %arg3: memref<1x1xf32, #tpu.memory_space<smem>>, %arg4: memref<2x16xf32, #tpu.memory_space<vmem>>) attributes {dimension_semantics = [#tpu.dimension_semantics<arbitrary>], iteration_bounds = array<i64: 8>, scalar_prefetch = 0 : i64, scratch_operands = 0 : i64, tpu.core_type = #tpu.core_type<tc>, window_params = [{transform_indices = @transform_0, window_bounds = array<i64: 16384, 256>}, {transform_indices = @transform_1, window_bounds = array<i64: 1, 1>}, {transform_indices = @transform_2, window_bounds = array<i64: 1, 1>}, {pipeline_mode = #tpu.pipeline_mode<synchronous>, transform_indices = @transform_3, window_bounds = array<i64: 2, 16>}]} {
    %get3A = arith.constant 0 : index
    %get3A_0 = arith.constant 0 : index
    %get3A_1 = vector.load %arg1[%get3A, %get3A_0] : memref<16384x256xf32, #tpu.memory_space<vmem>>, vector<16384x256xf32>
    %reduce_min3A = vector.shape_cast %get3A_1 : vector<16384x256xf32> to vector<1x16384x256xf32>
    %reduce_min3A_2 = arith.constant dense<0x7F800000> : vector<1xf32>
    %reduce_min3A_3 = vector.multi_reduction <minimumf>, %reduce_min3A, %reduce_min3A_2 [1, 2] : vector<1x16384x256xf32> to vector<1xf32>
    %reduce_min3A_4 = vector.shape_cast %reduce_min3A_3 : vector<1xf32> to vector<1x1x1xf32>
    %reduce_min3A_5 = vector.extract %reduce_min3A_4[0, 0, 0] : f32 from vector<1x1x1xf32>
    %get3A_6 = arith.constant 0 : index
    %get3A_7 = arith.constant 0 : index
    %get3A_8 = vector.load %arg1[%get3A_6, %get3A_7] : memref<16384x256xf32, #tpu.memory_space<vmem>>, vector<16384x256xf32>
    %reduce_max3A = vector.shape_cast %get3A_8 : vector<16384x256xf32> to vector<1x16384x256xf32>
    %reduce_max3A_9 = arith.constant dense<0xFF800000> : vector<1xf32>
    %reduce_max3A_10 = vector.multi_reduction <maximumf>, %reduce_max3A, %reduce_max3A_9 [1, 2] : vector<1x16384x256xf32> to vector<1xf32>
    %reduce_max3A_11 = vector.shape_cast %reduce_max3A_10 : vector<1xf32> to vector<1x1x1xf32>
    %reduce_max3A_12 = vector.extract %reduce_max3A_11[0, 0, 0] : f32 from vector<1x1x1xf32>
    %eq3A = arith.constant 0 : i32
    %eq3A_13 = arith.cmpi eq, %arg0, %eq3A : i32
    %convert_element_type3A = arith.extui %eq3A_13 : i1 to i32
    %cond3A = arith.constant 0 : i32
    %cond3A_14 = arith.cmpi ne, %convert_element_type3A, %cond3A : i32
    scf.if %cond3A_14 {
      %swap3A = arith.constant 0 : index
      %swap3A_24 = arith.constant 0 : index
      %swap3A_25 = memref.load %arg2[%swap3A, %swap3A_24] : memref<1x1xf32, #tpu.memory_space<smem>>
      memref.store %reduce_min3A_5, %arg2[%swap3A, %swap3A_24] : memref<1x1xf32, #tpu.memory_space<smem>>
      %swap3A_26 = arith.constant 0 : index
      %swap3A_27 = arith.constant 0 : index
      %swap3A_28 = memref.load %arg3[%swap3A_26, %swap3A_27] : memref<1x1xf32, #tpu.memory_space<smem>>
      memref.store %reduce_max3A_12, %arg3[%swap3A_26, %swap3A_27] : memref<1x1xf32, #tpu.memory_space<smem>>
    } else {
    }
    %ne3A = arith.constant 0 : i32
    %ne3A_15 = arith.cmpi ne, %arg0, %ne3A : i32
    %convert_element_type3A_16 = arith.extui %ne3A_15 : i1 to i32
    %cond3A_17 = arith.constant 0 : i32
    %cond3A_18 = arith.cmpi ne, %convert_element_type3A_16, %cond3A_17 : i32
    scf.if %cond3A_18 {
      %get3A_24 = arith.constant 0 : index
      %get3A_25 = arith.constant 0 : index
      %get3A_26 = memref.load %arg2[%get3A_24, %get3A_25] : memref<1x1xf32, #tpu.memory_space<smem>>
      %min3A = arith.minimumf %get3A_26, %reduce_min3A_5 : f32
      %swap3A = arith.constant 0 : index
      %swap3A_27 = arith.constant 0 : index
      %swap3A_28 = memref.load %arg2[%swap3A, %swap3A_27] : memref<1x1xf32, #tpu.memory_space<smem>>
      memref.store %min3A, %arg2[%swap3A, %swap3A_27] : memref<1x1xf32, #tpu.memory_space<smem>>
      %get3A_29 = arith.constant 0 : index
      %get3A_30 = arith.constant 0 : index
      %get3A_31 = memref.load %arg3[%get3A_29, %get3A_30] : memref<1x1xf32, #tpu.memory_space<smem>>
      %max3A = arith.maximumf %get3A_31, %reduce_max3A_12 : f32
      %swap3A_32 = arith.constant 0 : index
      %swap3A_33 = arith.constant 0 : index
      %swap3A_34 = memref.load %arg3[%swap3A_32, %swap3A_33] : memref<1x1xf32, #tpu.memory_space<smem>>
      memref.store %max3A, %arg3[%swap3A_32, %swap3A_33] : memref<1x1xf32, #tpu.memory_space<smem>>
    } else {
    }
    %eq3A_19 = arith.constant 7 : i32
    %eq3A_20 = arith.cmpi eq, %arg0, %eq3A_19 : i32
    %convert_element_type3A_21 = arith.extui %eq3A_20 : i1 to i32
    %cond3A_22 = arith.constant 0 : i32
    %cond3A_23 = arith.cmpi ne, %convert_element_type3A_21, %cond3A_22 : i32
    scf.if %cond3A_23 {
      %get3A_24 = arith.constant 0 : index
      %get3A_25 = arith.constant 0 : index
      %get3A_26 = memref.load %arg2[%get3A_24, %get3A_25] : memref<1x1xf32, #tpu.memory_space<smem>>
      %get3A_27 = arith.constant 0 : index
      %get3A_28 = arith.constant 0 : index
      %get3A_29 = memref.load %arg3[%get3A_27, %get3A_28] : memref<1x1xf32, #tpu.memory_space<smem>>
      %gt3A = arith.cmpf ogt, %get3A_29, %get3A_26 : f32
      %sub3A = arith.subf %get3A_29, %get3A_26 : f32
      %div3A = arith.constant 3.200000e+01 : f32
      %div3A_30 = arith.divf %div3A, %sub3A : f32
      %jit3A = arith.constant 0.000000e+00 : f32
      %select_n3A = arith.select %gt3A, %div3A_30, %jit3A : f32
      %broadcast_in_dim3A = vector.broadcast %get3A_26 : f32 to vector<16xf32>
      %swap3A = arith.constant 0 : index
      %swap3A_31 = arith.constant 0 : index
      %swap3A_32 = vector.load %arg4[%swap3A, %swap3A_31] : memref<2x16xf32, #tpu.memory_space<vmem>>, vector<1x16xf32>
      %swap3A_33 = vector.shape_cast %swap3A_32 : vector<1x16xf32> to vector<16xf32>
      %swap3A_34 = vector.shape_cast %broadcast_in_dim3A : vector<16xf32> to vector<1x16xf32>
      tpu.vector_store %arg4[%swap3A, %swap3A_31], %swap3A_34 {strides = array<i32>} : memref<2x16xf32, #tpu.memory_space<vmem>>, vector<1x16xf32>,
      %broadcast_in_dim3A_35 = vector.broadcast %select_n3A : f32 to vector<16xf32>
      %swap3A_36 = arith.constant 1 : index
      %swap3A_37 = arith.constant 0 : index
      %swap3A_38 = vector.load %arg4[%swap3A_36, %swap3A_37] : memref<2x16xf32, #tpu.memory_space<vmem>>, vector<1x16xf32>
      %swap3A_39 = vector.shape_cast %swap3A_38 : vector<1x16xf32> to vector<16xf32>
      %swap3A_40 = vector.shape_cast %broadcast_in_dim3A_35 : vector<16xf32> to vector<1x16xf32>
      tpu.vector_store %arg4[%swap3A_36, %swap3A_37], %swap3A_40 {strides = array<i32>} : memref<2x16xf32, #tpu.memory_space<vmem>>, vector<1x16xf32>,
    } else {
    }
    return
  }
  func.func @transform_0(%arg0: i32) -> (i32, i32) {
    %c0_i32 = arith.constant 0 : i32
    %c0_i32_0 = arith.constant 0 : i32
    return %arg0, %c0_i32 : i32, i32
  }
  func.func @transform_1(%arg0: i32) -> (i32, i32) {
    %c0_i32 = arith.constant 0 : i32
    %c0_i32_0 = arith.constant 0 : i32
    %c0_i32_1 = arith.constant 0 : i32
    return %c0_i32, %c0_i32_0 : i32, i32
  }
  func.func @transform_2(%arg0: i32) -> (i32, i32) {
    %c0_i32 = arith.constant 0 : i32
    %c0_i32_0 = arith.constant 0 : i32
    %c0_i32_1 = arith.constant 0 : i32
    return %c0_i32, %c0_i32_0 : i32, i32
  }
  func.func @transform_3(%arg0: i32) -> (i32, i32) {
    %c0_i32 = arith.constant 0 : i32
    %c0_i32_0 = arith.constant 0 : i32
    %c0_i32_1 = arith.constant 0 : i32
    return %c0_i32, %c0_i32_0 : i32, i32
  }
}

module attributes {stable_mosaic.version = 14 : i64} {
  func.func @_entropy_body(%arg0: memref<32x8448xf32, #tpu.memory_space<vmem>>, %arg1: memref<1x256xf32, #tpu.memory_space<vmem>>, %arg2: memref<1x1xf32, #tpu.memory_space<smem>>, %arg3: memref<1x1xf32, #tpu.memory_space<smem>>, %arg4: memref<1x1xf32, #tpu.memory_space<smem>>) attributes {dimension_semantics = [], scalar_prefetch = 0 : i64, scratch_operands = 0 : i64, tpu.core_type = #tpu.core_type<tc>} {
    %get3A = arith.constant 0 : index
    %get3A_0 = arith.constant 0 : index
    %get3A_1 = vector.load %arg0[%get3A, %get3A_0] : memref<32x8448xf32, #tpu.memory_space<vmem>>, vector<32x8448xf32>
    %reduce_sum3A = arith.constant dense<0.000000e+00> : vector<8448xf32>
    %reduce_sum3A_2 = vector.multi_reduction <add>, %get3A_1, %reduce_sum3A [0] : vector<32x8448xf32> to vector<8448xf32>
    %broadcast_in_dim3A = vector.shape_cast %reduce_sum3A_2 : vector<8448xf32> to vector<1x8448xf32>
    %broadcast_in_dim3A_3 = arith.constant 0.000000e+00 : f32
    %broadcast_in_dim3A_4 = vector.broadcast %broadcast_in_dim3A_3 : f32 to vector<1x256xf32>
    %slice3A = vector.extract_strided_slice %broadcast_in_dim3A {offsets = [0, 0], sizes = [1, 256], strides = [1, 1]} : vector<1x8448xf32> to vector<1x256xf32>
    %mul3A = arith.constant 7.62939453E-6 : f32
    %mul3A_5 = vector.broadcast %mul3A : f32 to vector<1x256xf32>
    %mul3A_6 = arith.mulf %slice3A, %mul3A_5 : vector<1x256xf32>
    %add3A = arith.constant 1.000000e-07 : f32
    %add3A_7 = vector.broadcast %add3A : f32 to vector<1x256xf32>
    %add3A_8 = arith.addf %mul3A_6, %add3A_7 : vector<1x256xf32>
    %log3A = math.log %add3A_8 : vector<1x256xf32>
    %mul3A_9 = arith.mulf %mul3A_6, %log3A : vector<1x256xf32>
    %sub3A = arith.subf %broadcast_in_dim3A_4, %mul3A_9 : vector<1x256xf32>
    %slice3A_10 = vector.extract_strided_slice %broadcast_in_dim3A {offsets = [0, 256], sizes = [1, 256], strides = [1, 1]} : vector<1x8448xf32> to vector<1x256xf32>
    %mul3A_11 = arith.constant 7.62939453E-6 : f32
    %mul3A_12 = vector.broadcast %mul3A_11 : f32 to vector<1x256xf32>
    %mul3A_13 = arith.mulf %slice3A_10, %mul3A_12 : vector<1x256xf32>
    %add3A_14 = arith.constant 1.000000e-07 : f32
    %add3A_15 = vector.broadcast %add3A_14 : f32 to vector<1x256xf32>
    %add3A_16 = arith.addf %mul3A_13, %add3A_15 : vector<1x256xf32>
    %log3A_17 = math.log %add3A_16 : vector<1x256xf32>
    %mul3A_18 = arith.mulf %mul3A_13, %log3A_17 : vector<1x256xf32>
    %sub3A_19 = arith.subf %sub3A, %mul3A_18 : vector<1x256xf32>
    %slice3A_20 = vector.extract_strided_slice %broadcast_in_dim3A {offsets = [0, 512], sizes = [1, 256], strides = [1, 1]} : vector<1x8448xf32> to vector<1x256xf32>
    %mul3A_21 = arith.constant 7.62939453E-6 : f32
    %mul3A_22 = vector.broadcast %mul3A_21 : f32 to vector<1x256xf32>
    %mul3A_23 = arith.mulf %slice3A_20, %mul3A_22 : vector<1x256xf32>
    %add3A_24 = arith.constant 1.000000e-07 : f32
    %add3A_25 = vector.broadcast %add3A_24 : f32 to vector<1x256xf32>
    %add3A_26 = arith.addf %mul3A_23, %add3A_25 : vector<1x256xf32>
    %log3A_27 = math.log %add3A_26 : vector<1x256xf32>
    %mul3A_28 = arith.mulf %mul3A_23, %log3A_27 : vector<1x256xf32>
    %sub3A_29 = arith.subf %sub3A_19, %mul3A_28 : vector<1x256xf32>
    %slice3A_30 = vector.extract_strided_slice %broadcast_in_dim3A {offsets = [0, 768], sizes = [1, 256], strides = [1, 1]} : vector<1x8448xf32> to vector<1x256xf32>
    %mul3A_31 = arith.constant 7.62939453E-6 : f32
    %mul3A_32 = vector.broadcast %mul3A_31 : f32 to vector<1x256xf32>
    %mul3A_33 = arith.mulf %slice3A_30, %mul3A_32 : vector<1x256xf32>
    %add3A_34 = arith.constant 1.000000e-07 : f32
    %add3A_35 = vector.broadcast %add3A_34 : f32 to vector<1x256xf32>
    %add3A_36 = arith.addf %mul3A_33, %add3A_35 : vector<1x256xf32>
    %log3A_37 = math.log %add3A_36 : vector<1x256xf32>
    %mul3A_38 = arith.mulf %mul3A_33, %log3A_37 : vector<1x256xf32>
    %sub3A_39 = arith.subf %sub3A_29, %mul3A_38 : vector<1x256xf32>
    %slice3A_40 = vector.extract_strided_slice %broadcast_in_dim3A {offsets = [0, 1024], sizes = [1, 256], strides = [1, 1]} : vector<1x8448xf32> to vector<1x256xf32>
    %mul3A_41 = arith.constant 7.62939453E-6 : f32
    %mul3A_42 = vector.broadcast %mul3A_41 : f32 to vector<1x256xf32>
    %mul3A_43 = arith.mulf %slice3A_40, %mul3A_42 : vector<1x256xf32>
    %add3A_44 = arith.constant 1.000000e-07 : f32
    %add3A_45 = vector.broadcast %add3A_44 : f32 to vector<1x256xf32>
    %add3A_46 = arith.addf %mul3A_43, %add3A_45 : vector<1x256xf32>
    %log3A_47 = math.log %add3A_46 : vector<1x256xf32>
    %mul3A_48 = arith.mulf %mul3A_43, %log3A_47 : vector<1x256xf32>
    %sub3A_49 = arith.subf %sub3A_39, %mul3A_48 : vector<1x256xf32>
    %slice3A_50 = vector.extract_strided_slice %broadcast_in_dim3A {offsets = [0, 1280], sizes = [1, 256], strides = [1, 1]} : vector<1x8448xf32> to vector<1x256xf32>
    %mul3A_51 = arith.constant 7.62939453E-6 : f32
    %mul3A_52 = vector.broadcast %mul3A_51 : f32 to vector<1x256xf32>
    %mul3A_53 = arith.mulf %slice3A_50, %mul3A_52 : vector<1x256xf32>
    %add3A_54 = arith.constant 1.000000e-07 : f32
    %add3A_55 = vector.broadcast %add3A_54 : f32 to vector<1x256xf32>
    %add3A_56 = arith.addf %mul3A_53, %add3A_55 : vector<1x256xf32>
    %log3A_57 = math.log %add3A_56 : vector<1x256xf32>
    %mul3A_58 = arith.mulf %mul3A_53, %log3A_57 : vector<1x256xf32>
    %sub3A_59 = arith.subf %sub3A_49, %mul3A_58 : vector<1x256xf32>
    %slice3A_60 = vector.extract_strided_slice %broadcast_in_dim3A {offsets = [0, 1536], sizes = [1, 256], strides = [1, 1]} : vector<1x8448xf32> to vector<1x256xf32>
    %mul3A_61 = arith.constant 7.62939453E-6 : f32
    %mul3A_62 = vector.broadcast %mul3A_61 : f32 to vector<1x256xf32>
    %mul3A_63 = arith.mulf %slice3A_60, %mul3A_62 : vector<1x256xf32>
    %add3A_64 = arith.constant 1.000000e-07 : f32
    %add3A_65 = vector.broadcast %add3A_64 : f32 to vector<1x256xf32>
    %add3A_66 = arith.addf %mul3A_63, %add3A_65 : vector<1x256xf32>
    %log3A_67 = math.log %add3A_66 : vector<1x256xf32>
    %mul3A_68 = arith.mulf %mul3A_63, %log3A_67 : vector<1x256xf32>
    %sub3A_69 = arith.subf %sub3A_59, %mul3A_68 : vector<1x256xf32>
    %slice3A_70 = vector.extract_strided_slice %broadcast_in_dim3A {offsets = [0, 1792], sizes = [1, 256], strides = [1, 1]} : vector<1x8448xf32> to vector<1x256xf32>
    %mul3A_71 = arith.constant 7.62939453E-6 : f32
    %mul3A_72 = vector.broadcast %mul3A_71 : f32 to vector<1x256xf32>
    %mul3A_73 = arith.mulf %slice3A_70, %mul3A_72 : vector<1x256xf32>
    %add3A_74 = arith.constant 1.000000e-07 : f32
    %add3A_75 = vector.broadcast %add3A_74 : f32 to vector<1x256xf32>
    %add3A_76 = arith.addf %mul3A_73, %add3A_75 : vector<1x256xf32>
    %log3A_77 = math.log %add3A_76 : vector<1x256xf32>
    %mul3A_78 = arith.mulf %mul3A_73, %log3A_77 : vector<1x256xf32>
    %sub3A_79 = arith.subf %sub3A_69, %mul3A_78 : vector<1x256xf32>
    %slice3A_80 = vector.extract_strided_slice %broadcast_in_dim3A {offsets = [0, 2048], sizes = [1, 256], strides = [1, 1]} : vector<1x8448xf32> to vector<1x256xf32>
    %mul3A_81 = arith.constant 7.62939453E-6 : f32
    %mul3A_82 = vector.broadcast %mul3A_81 : f32 to vector<1x256xf32>
    %mul3A_83 = arith.mulf %slice3A_80, %mul3A_82 : vector<1x256xf32>
    %add3A_84 = arith.constant 1.000000e-07 : f32
    %add3A_85 = vector.broadcast %add3A_84 : f32 to vector<1x256xf32>
    %add3A_86 = arith.addf %mul3A_83, %add3A_85 : vector<1x256xf32>
    %log3A_87 = math.log %add3A_86 : vector<1x256xf32>
    %mul3A_88 = arith.mulf %mul3A_83, %log3A_87 : vector<1x256xf32>
    %sub3A_89 = arith.subf %sub3A_79, %mul3A_88 : vector<1x256xf32>
    %slice3A_90 = vector.extract_strided_slice %broadcast_in_dim3A {offsets = [0, 2304], sizes = [1, 256], strides = [1, 1]} : vector<1x8448xf32> to vector<1x256xf32>
    %mul3A_91 = arith.constant 7.62939453E-6 : f32
    %mul3A_92 = vector.broadcast %mul3A_91 : f32 to vector<1x256xf32>
    %mul3A_93 = arith.mulf %slice3A_90, %mul3A_92 : vector<1x256xf32>
    %add3A_94 = arith.constant 1.000000e-07 : f32
    %add3A_95 = vector.broadcast %add3A_94 : f32 to vector<1x256xf32>
    %add3A_96 = arith.addf %mul3A_93, %add3A_95 : vector<1x256xf32>
    %log3A_97 = math.log %add3A_96 : vector<1x256xf32>
    %mul3A_98 = arith.mulf %mul3A_93, %log3A_97 : vector<1x256xf32>
    %sub3A_99 = arith.subf %sub3A_89, %mul3A_98 : vector<1x256xf32>
    %slice3A_100 = vector.extract_strided_slice %broadcast_in_dim3A {offsets = [0, 2560], sizes = [1, 256], strides = [1, 1]} : vector<1x8448xf32> to vector<1x256xf32>
    %mul3A_101 = arith.constant 7.62939453E-6 : f32
    %mul3A_102 = vector.broadcast %mul3A_101 : f32 to vector<1x256xf32>
    %mul3A_103 = arith.mulf %slice3A_100, %mul3A_102 : vector<1x256xf32>
    %add3A_104 = arith.constant 1.000000e-07 : f32
    %add3A_105 = vector.broadcast %add3A_104 : f32 to vector<1x256xf32>
    %add3A_106 = arith.addf %mul3A_103, %add3A_105 : vector<1x256xf32>
    %log3A_107 = math.log %add3A_106 : vector<1x256xf32>
    %mul3A_108 = arith.mulf %mul3A_103, %log3A_107 : vector<1x256xf32>
    %sub3A_109 = arith.subf %sub3A_99, %mul3A_108 : vector<1x256xf32>
    %slice3A_110 = vector.extract_strided_slice %broadcast_in_dim3A {offsets = [0, 2816], sizes = [1, 256], strides = [1, 1]} : vector<1x8448xf32> to vector<1x256xf32>
    %mul3A_111 = arith.constant 7.62939453E-6 : f32
    %mul3A_112 = vector.broadcast %mul3A_111 : f32 to vector<1x256xf32>
    %mul3A_113 = arith.mulf %slice3A_110, %mul3A_112 : vector<1x256xf32>
    %add3A_114 = arith.constant 1.000000e-07 : f32
    %add3A_115 = vector.broadcast %add3A_114 : f32 to vector<1x256xf32>
    %add3A_116 = arith.addf %mul3A_113, %add3A_115 : vector<1x256xf32>
    %log3A_117 = math.log %add3A_116 : vector<1x256xf32>
    %mul3A_118 = arith.mulf %mul3A_113, %log3A_117 : vector<1x256xf32>
    %sub3A_119 = arith.subf %sub3A_109, %mul3A_118 : vector<1x256xf32>
    %slice3A_120 = vector.extract_strided_slice %broadcast_in_dim3A {offsets = [0, 3072], sizes = [1, 256], strides = [1, 1]} : vector<1x8448xf32> to vector<1x256xf32>
    %mul3A_121 = arith.constant 7.62939453E-6 : f32
    %mul3A_122 = vector.broadcast %mul3A_121 : f32 to vector<1x256xf32>
    %mul3A_123 = arith.mulf %slice3A_120, %mul3A_122 : vector<1x256xf32>
    %add3A_124 = arith.constant 1.000000e-07 : f32
    %add3A_125 = vector.broadcast %add3A_124 : f32 to vector<1x256xf32>
    %add3A_126 = arith.addf %mul3A_123, %add3A_125 : vector<1x256xf32>
    %log3A_127 = math.log %add3A_126 : vector<1x256xf32>
    %mul3A_128 = arith.mulf %mul3A_123, %log3A_127 : vector<1x256xf32>
    %sub3A_129 = arith.subf %sub3A_119, %mul3A_128 : vector<1x256xf32>
    %slice3A_130 = vector.extract_strided_slice %broadcast_in_dim3A {offsets = [0, 3328], sizes = [1, 256], strides = [1, 1]} : vector<1x8448xf32> to vector<1x256xf32>
    %mul3A_131 = arith.constant 7.62939453E-6 : f32
    %mul3A_132 = vector.broadcast %mul3A_131 : f32 to vector<1x256xf32>
    %mul3A_133 = arith.mulf %slice3A_130, %mul3A_132 : vector<1x256xf32>
    %add3A_134 = arith.constant 1.000000e-07 : f32
    %add3A_135 = vector.broadcast %add3A_134 : f32 to vector<1x256xf32>
    %add3A_136 = arith.addf %mul3A_133, %add3A_135 : vector<1x256xf32>
    %log3A_137 = math.log %add3A_136 : vector<1x256xf32>
    %mul3A_138 = arith.mulf %mul3A_133, %log3A_137 : vector<1x256xf32>
    %sub3A_139 = arith.subf %sub3A_129, %mul3A_138 : vector<1x256xf32>
    %slice3A_140 = vector.extract_strided_slice %broadcast_in_dim3A {offsets = [0, 3584], sizes = [1, 256], strides = [1, 1]} : vector<1x8448xf32> to vector<1x256xf32>
    %mul3A_141 = arith.constant 7.62939453E-6 : f32
    %mul3A_142 = vector.broadcast %mul3A_141 : f32 to vector<1x256xf32>
    %mul3A_143 = arith.mulf %slice3A_140, %mul3A_142 : vector<1x256xf32>
    %add3A_144 = arith.constant 1.000000e-07 : f32
    %add3A_145 = vector.broadcast %add3A_144 : f32 to vector<1x256xf32>
    %add3A_146 = arith.addf %mul3A_143, %add3A_145 : vector<1x256xf32>
    %log3A_147 = math.log %add3A_146 : vector<1x256xf32>
    %mul3A_148 = arith.mulf %mul3A_143, %log3A_147 : vector<1x256xf32>
    %sub3A_149 = arith.subf %sub3A_139, %mul3A_148 : vector<1x256xf32>
    %slice3A_150 = vector.extract_strided_slice %broadcast_in_dim3A {offsets = [0, 3840], sizes = [1, 256], strides = [1, 1]} : vector<1x8448xf32> to vector<1x256xf32>
    %mul3A_151 = arith.constant 7.62939453E-6 : f32
    %mul3A_152 = vector.broadcast %mul3A_151 : f32 to vector<1x256xf32>
    %mul3A_153 = arith.mulf %slice3A_150, %mul3A_152 : vector<1x256xf32>
    %add3A_154 = arith.constant 1.000000e-07 : f32
    %add3A_155 = vector.broadcast %add3A_154 : f32 to vector<1x256xf32>
    %add3A_156 = arith.addf %mul3A_153, %add3A_155 : vector<1x256xf32>
    %log3A_157 = math.log %add3A_156 : vector<1x256xf32>
    %mul3A_158 = arith.mulf %mul3A_153, %log3A_157 : vector<1x256xf32>
    %sub3A_159 = arith.subf %sub3A_149, %mul3A_158 : vector<1x256xf32>
    %slice3A_160 = vector.extract_strided_slice %broadcast_in_dim3A {offsets = [0, 4096], sizes = [1, 256], strides = [1, 1]} : vector<1x8448xf32> to vector<1x256xf32>
    %mul3A_161 = arith.constant 7.62939453E-6 : f32
    %mul3A_162 = vector.broadcast %mul3A_161 : f32 to vector<1x256xf32>
    %mul3A_163 = arith.mulf %slice3A_160, %mul3A_162 : vector<1x256xf32>
    %add3A_164 = arith.constant 1.000000e-07 : f32
    %add3A_165 = vector.broadcast %add3A_164 : f32 to vector<1x256xf32>
    %add3A_166 = arith.addf %mul3A_163, %add3A_165 : vector<1x256xf32>
    %log3A_167 = math.log %add3A_166 : vector<1x256xf32>
    %mul3A_168 = arith.mulf %mul3A_163, %log3A_167 : vector<1x256xf32>
    %sub3A_169 = arith.subf %sub3A_159, %mul3A_168 : vector<1x256xf32>
    %slice3A_170 = vector.extract_strided_slice %broadcast_in_dim3A {offsets = [0, 4352], sizes = [1, 256], strides = [1, 1]} : vector<1x8448xf32> to vector<1x256xf32>
    %mul3A_171 = arith.constant 7.62939453E-6 : f32
    %mul3A_172 = vector.broadcast %mul3A_171 : f32 to vector<1x256xf32>
    %mul3A_173 = arith.mulf %slice3A_170, %mul3A_172 : vector<1x256xf32>
    %add3A_174 = arith.constant 1.000000e-07 : f32
    %add3A_175 = vector.broadcast %add3A_174 : f32 to vector<1x256xf32>
    %add3A_176 = arith.addf %mul3A_173, %add3A_175 : vector<1x256xf32>
    %log3A_177 = math.log %add3A_176 : vector<1x256xf32>
    %mul3A_178 = arith.mulf %mul3A_173, %log3A_177 : vector<1x256xf32>
    %sub3A_179 = arith.subf %sub3A_169, %mul3A_178 : vector<1x256xf32>
    %slice3A_180 = vector.extract_strided_slice %broadcast_in_dim3A {offsets = [0, 4608], sizes = [1, 256], strides = [1, 1]} : vector<1x8448xf32> to vector<1x256xf32>
    %mul3A_181 = arith.constant 7.62939453E-6 : f32
    %mul3A_182 = vector.broadcast %mul3A_181 : f32 to vector<1x256xf32>
    %mul3A_183 = arith.mulf %slice3A_180, %mul3A_182 : vector<1x256xf32>
    %add3A_184 = arith.constant 1.000000e-07 : f32
    %add3A_185 = vector.broadcast %add3A_184 : f32 to vector<1x256xf32>
    %add3A_186 = arith.addf %mul3A_183, %add3A_185 : vector<1x256xf32>
    %log3A_187 = math.log %add3A_186 : vector<1x256xf32>
    %mul3A_188 = arith.mulf %mul3A_183, %log3A_187 : vector<1x256xf32>
    %sub3A_189 = arith.subf %sub3A_179, %mul3A_188 : vector<1x256xf32>
    %slice3A_190 = vector.extract_strided_slice %broadcast_in_dim3A {offsets = [0, 4864], sizes = [1, 256], strides = [1, 1]} : vector<1x8448xf32> to vector<1x256xf32>
    %mul3A_191 = arith.constant 7.62939453E-6 : f32
    %mul3A_192 = vector.broadcast %mul3A_191 : f32 to vector<1x256xf32>
    %mul3A_193 = arith.mulf %slice3A_190, %mul3A_192 : vector<1x256xf32>
    %add3A_194 = arith.constant 1.000000e-07 : f32
    %add3A_195 = vector.broadcast %add3A_194 : f32 to vector<1x256xf32>
    %add3A_196 = arith.addf %mul3A_193, %add3A_195 : vector<1x256xf32>
    %log3A_197 = math.log %add3A_196 : vector<1x256xf32>
    %mul3A_198 = arith.mulf %mul3A_193, %log3A_197 : vector<1x256xf32>
    %sub3A_199 = arith.subf %sub3A_189, %mul3A_198 : vector<1x256xf32>
    %slice3A_200 = vector.extract_strided_slice %broadcast_in_dim3A {offsets = [0, 5120], sizes = [1, 256], strides = [1, 1]} : vector<1x8448xf32> to vector<1x256xf32>
    %mul3A_201 = arith.constant 7.62939453E-6 : f32
    %mul3A_202 = vector.broadcast %mul3A_201 : f32 to vector<1x256xf32>
    %mul3A_203 = arith.mulf %slice3A_200, %mul3A_202 : vector<1x256xf32>
    %add3A_204 = arith.constant 1.000000e-07 : f32
    %add3A_205 = vector.broadcast %add3A_204 : f32 to vector<1x256xf32>
    %add3A_206 = arith.addf %mul3A_203, %add3A_205 : vector<1x256xf32>
    %log3A_207 = math.log %add3A_206 : vector<1x256xf32>
    %mul3A_208 = arith.mulf %mul3A_203, %log3A_207 : vector<1x256xf32>
    %sub3A_209 = arith.subf %sub3A_199, %mul3A_208 : vector<1x256xf32>
    %slice3A_210 = vector.extract_strided_slice %broadcast_in_dim3A {offsets = [0, 5376], sizes = [1, 256], strides = [1, 1]} : vector<1x8448xf32> to vector<1x256xf32>
    %mul3A_211 = arith.constant 7.62939453E-6 : f32
    %mul3A_212 = vector.broadcast %mul3A_211 : f32 to vector<1x256xf32>
    %mul3A_213 = arith.mulf %slice3A_210, %mul3A_212 : vector<1x256xf32>
    %add3A_214 = arith.constant 1.000000e-07 : f32
    %add3A_215 = vector.broadcast %add3A_214 : f32 to vector<1x256xf32>
    %add3A_216 = arith.addf %mul3A_213, %add3A_215 : vector<1x256xf32>
    %log3A_217 = math.log %add3A_216 : vector<1x256xf32>
    %mul3A_218 = arith.mulf %mul3A_213, %log3A_217 : vector<1x256xf32>
    %sub3A_219 = arith.subf %sub3A_209, %mul3A_218 : vector<1x256xf32>
    %slice3A_220 = vector.extract_strided_slice %broadcast_in_dim3A {offsets = [0, 5632], sizes = [1, 256], strides = [1, 1]} : vector<1x8448xf32> to vector<1x256xf32>
    %mul3A_221 = arith.constant 7.62939453E-6 : f32
    %mul3A_222 = vector.broadcast %mul3A_221 : f32 to vector<1x256xf32>
    %mul3A_223 = arith.mulf %slice3A_220, %mul3A_222 : vector<1x256xf32>
    %add3A_224 = arith.constant 1.000000e-07 : f32
    %add3A_225 = vector.broadcast %add3A_224 : f32 to vector<1x256xf32>
    %add3A_226 = arith.addf %mul3A_223, %add3A_225 : vector<1x256xf32>
    %log3A_227 = math.log %add3A_226 : vector<1x256xf32>
    %mul3A_228 = arith.mulf %mul3A_223, %log3A_227 : vector<1x256xf32>
    %sub3A_229 = arith.subf %sub3A_219, %mul3A_228 : vector<1x256xf32>
    %slice3A_230 = vector.extract_strided_slice %broadcast_in_dim3A {offsets = [0, 5888], sizes = [1, 256], strides = [1, 1]} : vector<1x8448xf32> to vector<1x256xf32>
    %mul3A_231 = arith.constant 7.62939453E-6 : f32
    %mul3A_232 = vector.broadcast %mul3A_231 : f32 to vector<1x256xf32>
    %mul3A_233 = arith.mulf %slice3A_230, %mul3A_232 : vector<1x256xf32>
    %add3A_234 = arith.constant 1.000000e-07 : f32
    %add3A_235 = vector.broadcast %add3A_234 : f32 to vector<1x256xf32>
    %add3A_236 = arith.addf %mul3A_233, %add3A_235 : vector<1x256xf32>
    %log3A_237 = math.log %add3A_236 : vector<1x256xf32>
    %mul3A_238 = arith.mulf %mul3A_233, %log3A_237 : vector<1x256xf32>
    %sub3A_239 = arith.subf %sub3A_229, %mul3A_238 : vector<1x256xf32>
    %slice3A_240 = vector.extract_strided_slice %broadcast_in_dim3A {offsets = [0, 6144], sizes = [1, 256], strides = [1, 1]} : vector<1x8448xf32> to vector<1x256xf32>
    %mul3A_241 = arith.constant 7.62939453E-6 : f32
    %mul3A_242 = vector.broadcast %mul3A_241 : f32 to vector<1x256xf32>
    %mul3A_243 = arith.mulf %slice3A_240, %mul3A_242 : vector<1x256xf32>
    %add3A_244 = arith.constant 1.000000e-07 : f32
    %add3A_245 = vector.broadcast %add3A_244 : f32 to vector<1x256xf32>
    %add3A_246 = arith.addf %mul3A_243, %add3A_245 : vector<1x256xf32>
    %log3A_247 = math.log %add3A_246 : vector<1x256xf32>
    %mul3A_248 = arith.mulf %mul3A_243, %log3A_247 : vector<1x256xf32>
    %sub3A_249 = arith.subf %sub3A_239, %mul3A_248 : vector<1x256xf32>
    %slice3A_250 = vector.extract_strided_slice %broadcast_in_dim3A {offsets = [0, 6400], sizes = [1, 256], strides = [1, 1]} : vector<1x8448xf32> to vector<1x256xf32>
    %mul3A_251 = arith.constant 7.62939453E-6 : f32
    %mul3A_252 = vector.broadcast %mul3A_251 : f32 to vector<1x256xf32>
    %mul3A_253 = arith.mulf %slice3A_250, %mul3A_252 : vector<1x256xf32>
    %add3A_254 = arith.constant 1.000000e-07 : f32
    %add3A_255 = vector.broadcast %add3A_254 : f32 to vector<1x256xf32>
    %add3A_256 = arith.addf %mul3A_253, %add3A_255 : vector<1x256xf32>
    %log3A_257 = math.log %add3A_256 : vector<1x256xf32>
    %mul3A_258 = arith.mulf %mul3A_253, %log3A_257 : vector<1x256xf32>
    %sub3A_259 = arith.subf %sub3A_249, %mul3A_258 : vector<1x256xf32>
    %slice3A_260 = vector.extract_strided_slice %broadcast_in_dim3A {offsets = [0, 6656], sizes = [1, 256], strides = [1, 1]} : vector<1x8448xf32> to vector<1x256xf32>
    %mul3A_261 = arith.constant 7.62939453E-6 : f32
    %mul3A_262 = vector.broadcast %mul3A_261 : f32 to vector<1x256xf32>
    %mul3A_263 = arith.mulf %slice3A_260, %mul3A_262 : vector<1x256xf32>
    %add3A_264 = arith.constant 1.000000e-07 : f32
    %add3A_265 = vector.broadcast %add3A_264 : f32 to vector<1x256xf32>
    %add3A_266 = arith.addf %mul3A_263, %add3A_265 : vector<1x256xf32>
    %log3A_267 = math.log %add3A_266 : vector<1x256xf32>
    %mul3A_268 = arith.mulf %mul3A_263, %log3A_267 : vector<1x256xf32>
    %sub3A_269 = arith.subf %sub3A_259, %mul3A_268 : vector<1x256xf32>
    %slice3A_270 = vector.extract_strided_slice %broadcast_in_dim3A {offsets = [0, 6912], sizes = [1, 256], strides = [1, 1]} : vector<1x8448xf32> to vector<1x256xf32>
    %mul3A_271 = arith.constant 7.62939453E-6 : f32
    %mul3A_272 = vector.broadcast %mul3A_271 : f32 to vector<1x256xf32>
    %mul3A_273 = arith.mulf %slice3A_270, %mul3A_272 : vector<1x256xf32>
    %add3A_274 = arith.constant 1.000000e-07 : f32
    %add3A_275 = vector.broadcast %add3A_274 : f32 to vector<1x256xf32>
    %add3A_276 = arith.addf %mul3A_273, %add3A_275 : vector<1x256xf32>
    %log3A_277 = math.log %add3A_276 : vector<1x256xf32>
    %mul3A_278 = arith.mulf %mul3A_273, %log3A_277 : vector<1x256xf32>
    %sub3A_279 = arith.subf %sub3A_269, %mul3A_278 : vector<1x256xf32>
    %slice3A_280 = vector.extract_strided_slice %broadcast_in_dim3A {offsets = [0, 7168], sizes = [1, 256], strides = [1, 1]} : vector<1x8448xf32> to vector<1x256xf32>
    %mul3A_281 = arith.constant 7.62939453E-6 : f32
    %mul3A_282 = vector.broadcast %mul3A_281 : f32 to vector<1x256xf32>
    %mul3A_283 = arith.mulf %slice3A_280, %mul3A_282 : vector<1x256xf32>
    %add3A_284 = arith.constant 1.000000e-07 : f32
    %add3A_285 = vector.broadcast %add3A_284 : f32 to vector<1x256xf32>
    %add3A_286 = arith.addf %mul3A_283, %add3A_285 : vector<1x256xf32>
    %log3A_287 = math.log %add3A_286 : vector<1x256xf32>
    %mul3A_288 = arith.mulf %mul3A_283, %log3A_287 : vector<1x256xf32>
    %sub3A_289 = arith.subf %sub3A_279, %mul3A_288 : vector<1x256xf32>
    %slice3A_290 = vector.extract_strided_slice %broadcast_in_dim3A {offsets = [0, 7424], sizes = [1, 256], strides = [1, 1]} : vector<1x8448xf32> to vector<1x256xf32>
    %mul3A_291 = arith.constant 7.62939453E-6 : f32
    %mul3A_292 = vector.broadcast %mul3A_291 : f32 to vector<1x256xf32>
    %mul3A_293 = arith.mulf %slice3A_290, %mul3A_292 : vector<1x256xf32>
    %add3A_294 = arith.constant 1.000000e-07 : f32
    %add3A_295 = vector.broadcast %add3A_294 : f32 to vector<1x256xf32>
    %add3A_296 = arith.addf %mul3A_293, %add3A_295 : vector<1x256xf32>
    %log3A_297 = math.log %add3A_296 : vector<1x256xf32>
    %mul3A_298 = arith.mulf %mul3A_293, %log3A_297 : vector<1x256xf32>
    %sub3A_299 = arith.subf %sub3A_289, %mul3A_298 : vector<1x256xf32>
    %slice3A_300 = vector.extract_strided_slice %broadcast_in_dim3A {offsets = [0, 7680], sizes = [1, 256], strides = [1, 1]} : vector<1x8448xf32> to vector<1x256xf32>
    %mul3A_301 = arith.constant 7.62939453E-6 : f32
    %mul3A_302 = vector.broadcast %mul3A_301 : f32 to vector<1x256xf32>
    %mul3A_303 = arith.mulf %slice3A_300, %mul3A_302 : vector<1x256xf32>
    %add3A_304 = arith.constant 1.000000e-07 : f32
    %add3A_305 = vector.broadcast %add3A_304 : f32 to vector<1x256xf32>
    %add3A_306 = arith.addf %mul3A_303, %add3A_305 : vector<1x256xf32>
    %log3A_307 = math.log %add3A_306 : vector<1x256xf32>
    %mul3A_308 = arith.mulf %mul3A_303, %log3A_307 : vector<1x256xf32>
    %sub3A_309 = arith.subf %sub3A_299, %mul3A_308 : vector<1x256xf32>
    %slice3A_310 = vector.extract_strided_slice %broadcast_in_dim3A {offsets = [0, 7936], sizes = [1, 256], strides = [1, 1]} : vector<1x8448xf32> to vector<1x256xf32>
    %mul3A_311 = arith.constant 7.62939453E-6 : f32
    %mul3A_312 = vector.broadcast %mul3A_311 : f32 to vector<1x256xf32>
    %mul3A_313 = arith.mulf %slice3A_310, %mul3A_312 : vector<1x256xf32>
    %add3A_314 = arith.constant 1.000000e-07 : f32
    %add3A_315 = vector.broadcast %add3A_314 : f32 to vector<1x256xf32>
    %add3A_316 = arith.addf %mul3A_313, %add3A_315 : vector<1x256xf32>
    %log3A_317 = math.log %add3A_316 : vector<1x256xf32>
    %mul3A_318 = arith.mulf %mul3A_313, %log3A_317 : vector<1x256xf32>
    %sub3A_319 = arith.subf %sub3A_309, %mul3A_318 : vector<1x256xf32>
    %get3A_320 = arith.constant 0 : index
    %get3A_321 = arith.constant 0 : index
    %get3A_322 = vector.load %arg1[%get3A_320, %get3A_321] : memref<1x256xf32, #tpu.memory_space<vmem>>, vector<1x256xf32>
    %sub3A_323 = arith.constant 1.000000e+00 : f32
    %sub3A_324 = vector.broadcast %sub3A_323 : f32 to vector<1x256xf32>
    %sub3A_325 = arith.subf %sub3A_324, %get3A_322 : vector<1x256xf32>
    %mul3A_326 = arith.mulf %sub3A_325, %sub3A_319 : vector<1x256xf32>
    %reduce_sum3A_327 = vector.shape_cast %mul3A_326 : vector<1x256xf32> to vector<1x1x256xf32>
    %reduce_sum3A_328 = arith.constant dense<0.000000e+00> : vector<1xf32>
    %reduce_sum3A_329 = vector.multi_reduction <add>, %reduce_sum3A_327, %reduce_sum3A_328 [1, 2] : vector<1x1x256xf32> to vector<1xf32>
    %reduce_sum3A_330 = vector.shape_cast %reduce_sum3A_329 : vector<1xf32> to vector<1x1x1xf32>
    %reduce_sum3A_331 = vector.extract %reduce_sum3A_330[0, 0, 0] : f32 from vector<1x1x1xf32>
    %mul3A_332 = arith.constant 1.44269502 : f32
    %mul3A_333 = arith.mulf %reduce_sum3A_331, %mul3A_332 : f32
    %get3A_334 = arith.constant 0 : index
    %get3A_335 = arith.constant 0 : index
    %get3A_336 = memref.load %arg3[%get3A_334, %get3A_335] : memref<1x1xf32, #tpu.memory_space<smem>>
    %get3A_337 = arith.constant 0 : index
    %get3A_338 = arith.constant 0 : index
    %get3A_339 = memref.load %arg2[%get3A_337, %get3A_338] : memref<1x1xf32, #tpu.memory_space<smem>>
    %gt3A = arith.cmpf ogt, %get3A_336, %get3A_339 : f32
    %jit3A = arith.constant 0.000000e+00 : f32
    %select_n3A = arith.select %gt3A, %mul3A_333, %jit3A : f32
    %swap3A = arith.constant 0 : index
    %swap3A_340 = arith.constant 0 : index
    %swap3A_341 = memref.load %arg4[%swap3A, %swap3A_340] : memref<1x1xf32, #tpu.memory_space<smem>>
    memref.store %select_n3A, %arg4[%swap3A, %swap3A_340] : memref<1x1xf32, #tpu.memory_space<smem>>
    return
  }
}

</mosaic_0001>

<sc_bundles>
// kernel: kernel.5.cloned.1.call-start
scs
__scs_entry_jumppad:
0x0: {  	(pc) =	sbr.rel $0x88, $3  }
0x1: {  	(tag) =	ssettag $0x0;
	lr =	simm.s32 $0x1  }
0x2: {  	[smem:$0x3F9F] =	sst lr;
	_ =	strace $0xD0000000  }
0x3: {  	_ = 	snop  }
0x4: {  	_ = 	snop  }
0x5: {  	_ = 	snop  }
0x6: {  	_ = 	snop  }
0x7: {  	_ = 	snop  }
__scs_overlays_trampoline_lowered:
0x8: {  	[smem:$0x3FAE] =	sst s0  }
0x9: {  	[smem:$0x3FAF] =	sst s1  }
0xa: {  	[smem:$0x3FB0] =	sst s2  }
0xb: {  	[smem:$0x3FB1] =	sst s3  }
0xc: {  	[smem:$0x3FB2] =	sst s4  }
0xd: {  	[smem:$0x3FB3] =	sst s5  }
0xe: {  	[smem:$0x3FB4] =	sst s6  }
0xf: {  	[smem:$0x3FB5] =	sst s7  }
0x10: {  	[smem:$0x3FB6] =	sst s8  }
0x11: {  	[smem:$0x3FB7] =	sst s9;
	s0 =	simm.s32 @!p0 $0x0  }
0x12: {  	s1 =	sld [smem:$0x3F9D];
	s0 =	simm.s32 @p0 $0x1  }
0x13: {  	[smem:$0x3FB8] =	sst s0;
	s0 =	simm.s32 @!p1 $0x0  }
0x14: {  	s2 =	sld [smem:$0x3F9C];
	s0 =	simm.s32 @p1 $0x1  }
0x15: {  	[smem:$0x3FB9] =	sst s0;
	s0 =	simm.s32 @!p2 $0x0  }
0x16: {  	s3 =	sld [smem:$0x3FDB];
	s0 =	simm.s32 @p2 $0x1  }
0x17: {  	s4 =	simm.s32 $0x1BF5;
	[smem:$0x3FBB] =	sst s0  }
0x18: {  	s0 =	sld [smem:$0x3F9E];
	_ =	swait.ge [sflag:s4], $0x0  }
0x19: {  	s7 =	sld [smem:$0x3F9F]  }
0x1a: {  	s8 =	sadd.s32 $0xFFFFE003, lr  }
0x1b: {  	s9 =	sadd.s32 $0xFFFFFEF7, lr;
	s5 =	simm.s32 $0xFFFFFFFF;
	p2 =	slt.u32 s8, $0xFFFFF086  }
0x1c: {  	p1 =	slt.u32 s9, $0xF7A;
	s5 =	simm.s32 @!p2 $0x0  }
0x1d: {  	s5 =	simm.s32 @p1 $0x1;
	p0 =	seq.s32 s7, s2  }
0x1e: {  	s7 =	smul.u32 @!p0 $0xF7A, s2;
	p2 =	seq.s32 @!p0 s5, $0x0  }
0x1f: {  	s9 =	smul.u32 $0xF7A, s1;
	s8 =	simm.s32 @!p0 $0x1BF5;
	p2 =	por !p2, p0  }
0x20: {  	[sflag:s8] =	ssyncset.s32 @!p0 $0xFFFFF086;
	s6 =	sadd.s32 @!p0 s3, s7;
	s7 =	simm.s32 @!p0 $0x108  }
0x21: {  	s3 =	sadd.s32 s3, s9;
	s6 =	sadd.s32 @!p0 $0x88, s6;
	s7 =	simm.s32 @p2 $0x1082  }
0x22: {  	[simem:s7], [sflag:s8] =	dma.local @!p0 [hbm:s6], $0xF7A  }
0x23: {  	s9 =	sor.u32 $0xD0000000, s2;
	s6 =	simm.s32 $0x108;
	_ =	swait.ge @!p0 [sflag:s8], $0x0  }
0x24: {  	s3 =	sadd.s32 $0x88, s3;
	s6 =	simm.s32 @!p1 $0x1082;
	[sflag:s4] =	ssyncset.s32 $0xFFFFF086  }
0x25: {  	[simem:s6], [sflag:s4] =	dma.local [hbm:s3], $0xF7A  }
0x26: {  	[smem:$0x3F9F] =	sst s1;
	(tag) =	ssettag s2;
	_ =	strace s9  }
0x27: {  	s1 =	sld [smem:$0x3FAF]  }
0x28: {  	s2 =	sld [smem:$0x3FB0]  }
0x29: {  	s4 =	sld [smem:$0x3FB2]  }
0x2a: {  	p0 =	seq.s32 s5, $0x0;
	s5 =	sld [smem:$0x3FB3]  }
0x2b: {  	s6 =	sld [smem:$0x3FB4]  }
0x2c: {  	s7 =	sld [smem:$0x3FB5]  }
0x2d: {  	s3 =	simm.s32 $0x108;
	s8 =	sld [smem:$0x3FB6]  }
0x2e: {  	s3 =	simm.s32 @!p0 $0x1082;
	s9 =	sld [smem:$0x3FB7]  }
0x2f: {  	lr =	sadd.s32 s0, s3;
	s0 =	sld [smem:$0x3FAE]  }
0x30: {  	s3 =	sld [smem:$0x3FB1]  }
0x31: {  	[smem:$0x3FBA] =	sst s10  }
0x32: {  	s10 =	sld [smem:$0x3FB8];
	_ =	sdelay $0x3  }
0x33: {  	p0 =	seq.s32 s10, $0x1;
	s10 =	sld [smem:$0x3FBA];
	_ =	sdelay $0x3  }
0x34: {  	[smem:$0x3FBA] =	sst s10  }
0x35: {  	s10 =	sld [smem:$0x3FB9];
	_ =	sdelay $0x3  }
0x36: {  	p1 =	seq.s32 s10, $0x1;
	s10 =	sld [smem:$0x3FBA];
	_ =	sdelay $0x3  }
0x37: {  	[smem:$0x3FBA] =	sst s10  }
0x38: {  	s10 =	sld [smem:$0x3FBB]  }
0x39: {  	_ = 	snop;
	(pc) =	sbr.ind lr, $3  }
0x3a: {  	_ = 	snop  }
0x3b: {  	_ = 	snop  }
0x3c: {  	p2 =	seq.s32 s10, $0x1;
	s10 =	sld [smem:$0x3FBA]  }
0x3d: {  	_ =	shalt  }
0x3e: {  	_ =	shalt  }
0x3f: {  	_ =	shalt  }
0x40: {  	_ =	shalt  }
0x41: {  	_ =	shalt  }
0x42: {  	_ =	shalt  }
0x43: {  	_ =	shalt  }
0x44: {  	_ =	shalt  }
0x45: {  	_ =	shalt  }
0x46: {  	_ =	shalt  }
0x47: {  	_ =	shalt  }
0x48: {  	_ =	shalt  }
0x49: {  	_ =	shalt  }
0x4a: {  	_ =	shalt  }
0x4b: {  	_ =	shalt  }
0x4c: {  	_ =	shalt  }
0x4d: {  	_ =	shalt  }
0x4e: {  	_ =	shalt  }
0x4f: {  	_ =	shalt  }
0x50: {  	_ =	shalt  }
0x51: {  	_ =	shalt  }
0x52: {  	_ =	shalt  }
0x53: {  	_ =	shalt  }
0x54: {  	_ =	shalt  }
0x55: {  	_ =	shalt  }
0x56: {  	_ =	shalt  }
0x57: {  	_ =	shalt  }
0x58: {  	_ =	shalt  }
0x59: {  	_ =	shalt  }
0x5a: {  	_ =	shalt  }
0x5b: {  	_ =	shalt  }
0x5c: {  	_ =	shalt  }
0x5d: {  	_ =	shalt  }
0x5e: {  	_ =	shalt  }
0x5f: {  	_ =	shalt  }
0x60: {  	_ =	shalt  }
0x61: {  	_ =	shalt  }
0x62: {  	_ =	shalt  }
0x63: {  	_ =	shalt  }
0x64: {  	_ =	shalt  }
0x65: {  	_ =	shalt  }
0x66: {  	_ =	shalt  }
0x67: {  	_ =	shalt  }
0x68: {  	_ =	shalt  }
0x69: {  	_ =	shalt  }
0x6a: {  	_ =	shalt  }
0x6b: {  	_ =	shalt  }
0x6c: {  	_ =	shalt  }
0x6d: {  	_ =	shalt  }
0x6e: {  	_ =	shalt  }
0x6f: {  	_ =	shalt  }
0x70: {  	_ =	shalt  }
0x71: {  	_ =	shalt  }
0x72: {  	_ =	shalt  }
0x73: {  	_ =	shalt  }
0x74: {  	_ =	shalt  }
0x75: {  	_ =	shalt  }
0x76: {  	_ =	shalt  }
0x77: {  	_ =	shalt  }
0x78: {  	_ =	shalt  }
0x79: {  	_ =	shalt  }
0x7a: {  	_ =	shalt  }
0x7b: {  	_ =	shalt  }
0x7c: {  	_ =	shalt  }
0x7d: {  	_ =	shalt  }
0x7e: {  	_ =	shalt  }
0x7f: {  	_ =	shalt  }
0x80: {  	_ =	shalt  }
0x81: {  	_ =	shalt  }
0x82: {  	_ =	shalt  }
0x83: {  	_ =	shalt  }
0x84: {  	_ =	shalt  }
0x85: {  	_ =	shalt  }
0x86: {  	_ =	shalt  }
0x87: {  	_ =	shalt  }
.Lfunc_end0:
.L_simem_size_0:
called_computation_lowered:
.L_overlay_start_0:
0x88: {  	s2 =	sld [smem:$0x3FD9]  }
0x89: {  	s3 =	sld [smem:$0x3FFE];
	_ =	sdelay $0x1  }
0x8a: {  	s1 =	srdreg.scid  }
0x8b: {  	s0 =	sand.u32 $0x1, s1  }
0x8c: {  	s17 =	sshll.u32 s0, $0xA;
	s2 =	sadd.s32 s3, s2  }
0x8d: {  	s2 =	sadd.s32 s2, s17  }
0x8e: {  	[smem:$0x3FC6] =	sst s2  }
0x8f: {  	_ = 	snop  }
0x90: {  	s2 =	sld [smem:$0x3FC9];
	(tm) =	ssettm $0x1  }
0x91: {  	s18 =	sld [smem:$0x3FFB];
	_ =	sdelay $0x3  }
0x92: {  	_ =	strace s18  }
0x93: {  	s3 =	sld [smem:$0x3FFC];
	_ =	sdelay $0x3  }
0x94: {  	_ =	strace s3  }
0x95: {  	s3 =	sld [smem:$0x3FFD];
	_ =	sdelay $0x3  }
0x96: {  	_ =	strace s3  }
0x97: {  	_ =	strace $0x8FFFFFFF  }
0x98: {  	s19 =	sld [smem:$0x3FDB];
	_ =	sdelay $0x1  }
0x99: {  	s4 =	simm.s32 $_scs_section_size  }
0x9a: {  	s5 =	simm.s32 $_size__tile_overlayer_lowered;
	s6 =	simm.s32 $_tile_overlayer_lowered  }
0x9b: {  	s22 =	simm.s32 $0x1BFF;
	s21 =	sshll.u32 s6, $0x1;
	s3 =	sadd.s32 s4, s19  }
0x9c: {  	s7 =	simm.s32 $0x0;
	s20 =	sshll.u32 s5, $0x1;
	s5 =	sadd.s32 s21, s3  }
0x9d: {  	[timem:s7], [sflag:s22] =	dma.local [hbm:s5], s20  }
0x9e: {  	_ =	swait.ge [sflag:s22], s20  }
0x9f: {  	s4 =	ssub.s32 $0x0, s20;
	[sflag:s22] =	ssyncset.done $0x0  }
0xa0: {  	[sflag:s22] =	ssyncadd.s32 s4;
	_ =	sdelay $0x1  }
0xa1: {  	s23 =	simm.s32 $0x1B8B  }
0xa2: {  	_ =	swait.ge [sflag:s23], $0x1  }
0xa3: {  	[sflag:s23] =	ssyncset.done $0x0  }
0xa4: {  	s25 =	simm.s32 $0x1B8E;
	s24 =	sld [smem:$0x3FFE];
	[sflag:s23] =	ssyncadd.s32 $0xFFFFFFFF  }
0xa5: {  	s26 =	simm.s32 $execute0_lowered;
	[smem:$0x3FD2] =	sst s25  }
0xa6: {  	s5 =	sshll.u32 s26, $0x1;
	_ =	strace $0x80000046;
	[dreg:$0x1] =	wrdreg $0xFFFFFFFF  }
0xa7: {  	s28 =	simm.s32 $_size_execute0_lowered;
	s3 =	sadd.s32 s3, s5;
	[dreg:$0x0] =	wrdreg $0x0  }
0xa8: {  	s5 =	sshll.u32 s28, $0x1;
	[dreg:$0x2] =	wrdreg s3  }
0xa9: {  	[dreg:$0x3] =	wrdreg s5  }
0xaa: {  	[dreg:$0x4] =	wrdreg $0xC0  }
0xab: {  	_ =	task [dreg:s7], $0x5FFFF  }
0xac: {  	[dreg:$0x1] =	wrdreg $0xFFFFFFFF  }
0xad: {  	[dreg:$0x0] =	wrdreg $0x60  }
0xae: {  	[dreg:$0x2] =	wrdreg s2  }
0xaf: {  	[dreg:$0x3] =	wrdreg s24  }
0xb0: {  	[dreg:$0x4] =	wrdreg $0x9  }
0xb1: {  	_ =	task.clear_ibuf [dreg:s7], $0x5FFFF;
	_ =	strace $0x90000046  }
0xb2: {  	s29 =	simm.s32 $0x9;
	_ =	strace $0x80000048  }
0xb3: {  	_ =	swait.ge [sflag:s29], $0x1  }
0xb4: {  	[sflag:s29] =	ssyncadd.s32 $0xFFFFFFFF  }
0xb5: {  	_ =	strace $0x90000048  }
0xb6: {  	_ =	sfence  }
0xb7: {  	s30 =	sld [smem:$0x0];
	_ =	sdelay $0x2  }
0xb8: {  	s31 =	sshll.u32 s1, $0xD;
	s1 =	sshrl.u32 s1, $0x2  }
0xb9: {  	s3 =	sand.u32 $0x4000, s31;
	s1 =	sadd.s32 s1, s30  }
0xba: {  	s0 =	sor.u32 s3, s0;
	s1 =	sshll.u32 s1, $0x11  }
0xbb: {  	s0 =	sor.u32 s1, s0  }
0xbc: {  	s0 =	sadd.s32 $0x8F2B, s0  }
0xbd: {  	[sflag:s0] =	ssyncadd.remote.s32 $0x1  }
0xbe: {  	_ =	sfence.sel $0xFFFF  }
0xbf: {  	[dreg:$0x0] =	wrdreg $0xFFFFFFFF;
	(pc) =	sbr.abs _section_cstart, $3  }
0xc0: {  	[dreg:$0x1] =	wrdreg $0xFFFFFFFF  }
0xc1: {  	_ =	task.clear_ibuf [dreg:s7], $0x2FFFF;
	_ =	strace $0x9FFFFFFF  }
0xc2: {  	(tm) =	ssettm $0x7FFFFFFF  }
0xc3: {  	_ =	shalt  }
tec
execute0_lowered:
.L_overlay_start_1:
0x0: {  	(tag) =	ssettag $0x1  }
0x1: {  	s4 =	rddreg [dreg:$0x0]  }
0x2: {  	s1 =	srdreg.scid;
	s0 =	stileid.u32  }
0x3: {  	s5 =	rddreg [dreg:$0x1];
	s10 =	simm.s32 $0x10000;
	s11 =	simm.s32 $0x3  }
0x4: {  	s12 =	simm.s32 $0x8000;
	s13 =	simm.s32 $0x1;
	s14 =	simm.s32 $0x10100  }
0x5: {  	s15 =	simm.s32 $0x2;
	s16 =	simm.s32 $0x80;
	s17 =	simm.s32 $0x400  }
0x6: {  	s18 =	simm.s32 $0x0;
	s6 =	sand.u32 $0x1, s1;
	s2 =	sshll.u32 s0, $0x1  }
0x7: {  	s1 =	rddreg [dreg:$0x2];
	s3 =	sshrl.u32 s0, $0x2;
	s7 =	sor.u32 s6, s2  }
0x8: {  	s2 =	simm.s32 $0x0;
	s8 =	smul.u32 $0x10800, s3;
	s3 =	sadd.s32 $0x1000, s5  }
0x9: {  	v0 =	vimm.f32 $0.0e+00;
	v1 =	vlaneseq.u32;
	v2 =	vimm.f32 $1.000000000e+00;
	s6 =	ssub.s32 $0x2, s6;
	s29 =	sshll.u32 s7, $0x7;
	[smem:$0x7FF] =	sst s2  }
.Ltmp0:
0xa: {  	v3 =	vor.u32 $0x10, v1;
	v4 =	vor.u32 $0x20, v1;
	v5 =	vor.u32 $0x30, v1;
	s7 =	sshll.u32 s7, $0x11;
	s9 =	sand.u32 $0x380, s29;
	(pc) =	sbr.rel .LBB2_1-.Ltmp0, $4  }
0xb: {  	v6 =	vor.u32 $0x40, v1;
	v7 =	vor.u32 $0x50, v1;
	v8 =	vor.u32 $0x60, v1;
	s30 =	sshrl.u32 s6, $0x1;
	_ =	strace $0x80000047;
	s8 =	sor.u32 s8, s9  }
0xc: {  	v9 =	vor.u32 $0x70, v1;
	v10 =	vor.u32 $0x80, v1;
	v11 =	vor.u32 $0x90, v1;
	s4 =	sadd.s32 s4, s7;
	s31 =	ssub.s32 s6, s30;
	s8 =	sshrl.u32 s8, $0x3  }
0xd: {  	v12 =	vor.u32 $0xA0, v1;
	v13 =	vor.u32 $0xB0, v1;
	v14 =	vor.u32 $0xC0, v1;
	s6 =	sadd.s32 $0x2000, s4;
	s7 =	sadd.s32 $0x3000, s4;
	s8 =	sadd.s32 s8, s5  }
0xe: {  	v15 =	vor.u32 $0xD0, v1;
	v16 =	vor.u32 $0xE0, v1;
	v17 =	vor.u32 $0xF0, v1;
	s9 =	smax.u32 s31, $0x1;
	s5 =	sadd.s32 $0x1000, s4;
	s8 =	sadd.s32 $0x1200, s8  }
.LBB2_10:
0xf: {  	s18 =	sadd.s32 $0x1, s18  }
0x10: {  	p0 =	sne.s32 s18, s9  }
.Ltmp1:
0x11: {  	_ = 	snop;
	(pc) =	sbr.rel @!p0 .LBB2_11-.Ltmp1, $4  }
0x12: {  	[hbm4b:s8+s16] =	stream.strided.scatter [tilespmem:s14], [sflag:$0x3], $0x2100, s17, s16, $0x38;
	[tilespmem:$0x12200] =	vst v63  }
0x13: {  	_ =	swait.ge [sflag:s11], $0x2100  }
0x14: {  	[sflag:s11] =	ssyncset.done $0x0  }
0x15: {  	[sflag:s11] =	ssyncadd.s32 $0xFFFFDF00  }
.LBB2_1:
0x16: {  	[tilespmem:s10], [sflag:$0x3] =	stream.linear.gather [hbm4b:s3+s2], $0x100, $0x38;
	[tilespmem:$0x12200] =	vst v63  }
0x17: {  	_ =	swait.ge [sflag:s11], $0x100  }
0x18: {  	[sflag:s11] =	ssyncset.done $0x0  }
0x19: {  	[sflag:s11] =	ssyncadd.s32 $0xFFFFFF00  }
0x1a: {  	v18 =	vld [tilespmem:$0x10000]  }
0x1b: {  	s19 =	simm.s32 $0x0;
	s20 =	simm.s32 $0x400;
	v19 =	vld [tilespmem:$0x10080]  }
.LBB2_2:
0x1c: {  	p0 =	sne.s32 s20, $0x8000;
	[tilespmem:s19+$0x101F0] =	vst v0  }
0x1d: {  	[tilespmem:s19+$0x10100] =	vst v0  }
0x1e: {  	[tilespmem:s19+$0x10110] =	vst v0  }
0x1f: {  	[tilespmem:s19+$0x10120] =	vst v0  }
0x20: {  	[tilespmem:s19+$0x10130] =	vst v0  }
0x21: {  	[tilespmem:s19+$0x10140] =	vst v0  }
0x22: {  	[tilespmem:s19+$0x10150] =	vst v0  }
0x23: {  	[tilespmem:s19+$0x10160] =	vst v0  }
0x24: {  	[tilespmem:s19+$0x10170] =	vst v0  }
0x25: {  	[tilespmem:s19+$0x10180] =	vst v0  }
0x26: {  	[tilespmem:s19+$0x10190] =	vst v0  }
.Ltmp2:
0x27: {  	[tilespmem:s19+$0x101A0] =	vst v0;
	(pc) =	sbr.rel @p0 .LBB2_2-.Ltmp2, $4  }
0x28: {  	[tilespmem:s19+$0x101B0] =	vst v0  }
0x29: {  	[tilespmem:s19+$0x101C0] =	vst v0  }
0x2a: {  	[tilespmem:s19+$0x101D0] =	vst v0  }
0x2b: {  	[tilespmem:s19+$0x101E0] =	vst v0;
	s19 =	sshra.s32 s20, $0x2;
	s20 =	sadd.s32 $0x400, s20  }
0x2c: {  	[tilespmem:s19+$0x101F0] =	vst v0  }
0x2d: {  	[tilespmem:s19+$0x10100] =	vst v0  }
0x2e: {  	[tilespmem:s19+$0x10110] =	vst v0  }
0x2f: {  	[tilespmem:s19+$0x10120] =	vst v0  }
0x30: {  	[tilespmem:s19+$0x10130] =	vst v0  }
0x31: {  	[tilespmem:s19+$0x10140] =	vst v0  }
0x32: {  	[tilespmem:s19+$0x10150] =	vst v0  }
0x33: {  	[tilespmem:s19+$0x10160] =	vst v0  }
0x34: {  	[tilespmem:s19+$0x10170] =	vst v0  }
0x35: {  	[tilespmem:s19+$0x10180] =	vst v0  }
0x36: {  	[tilespmem:s19+$0x10190] =	vst v0  }
0x37: {  	[tilespmem:s19+$0x101A0] =	vst v0  }
0x38: {  	[tilespmem:s19+$0x101B0] =	vst v0  }
0x39: {  	[tilespmem:s19+$0x101C0] =	vst v0  }
0x3a: {  	[tilespmem:s19+$0x101D0] =	vst v0  }
0x3b: {  	[tilespmem:s19+$0x101E0] =	vst v0;
	s19 =	simm.s32 $0x0  }
0x3c: {  	[tilespmem:s19], [sflag:$0x1] =	stream.linear.gather [hbm4b:s4+s19], $0x8000, $0x38;
	[tilespmem:$0x12200] =	vst v63  }
0x3d: {  	s20 =	simm.s32 $0x0  }
0x3e: {  	[tilespmem:s12], [sflag:$0x2] =	stream.linear.gather [hbm4b:s5+s19], $0x8000, $0x38;
	[tilespmem:$0x12200] =	vst v63  }
.LBB2_4:
0x3f: {  	_ =	swait.ge [sflag:s13], $0x8000  }
0x40: {  	s21 =	sand.u32 $0x7800, s19;
	s22 =	sand.u32 $0x380, s19;
	[sflag:s13] =	ssyncset.done $0x0  }
0x41: {  	s21 =	sor.u32 s22, s21;
	[sflag:s13] =	ssyncadd.s32 $0xFFFF8000  }
0x42: {  	v20 =	vld [tilespmem:s21+$0x470]  }
0x43: {  	v21 =	vld [tilespmem:s21+$0x0]  }
0x44: {  	v22 =	vld [tilespmem:s21+$0x10]  }
0x45: {  	v23 =	vld [tilespmem:s21+$0x20]  }
0x46: {  	v24 =	vld [tilespmem:s21+$0x30]  }
0x47: {  	v25 =	vld [tilespmem:s21+$0x40]  }
0x48: {  	v26 =	vld [tilespmem:s21+$0x50]  }
0x49: {  	v27 =	vld [tilespmem:s21+$0x60]  }
0x4a: {  	v28 =	vld [tilespmem:s21+$0x70]  }
0x4b: {  	v29 =	vld [tilespmem:s21+$0x400]  }
0x4c: {  	v30 =	vld [tilespmem:s21+$0x410];
	v20 =	vsub.f32 v20, v18;
	v21 =	vsub.f32 v21, v18  }
0x4d: {  	v31 =	vld [tilespmem:s21+$0x420];
	v22 =	vsub.f32 v22, v18;
	v23 =	vsub.f32 v23, v18  }
0x4e: {  	v32 =	vld [tilespmem:s21+$0x430];
	v24 =	vsub.f32 v24, v18;
	v25 =	vsub.f32 v25, v18  }
0x4f: {  	v33 =	vld [tilespmem:s21+$0x440];
	v26 =	vsub.f32 v26, v18;
	v27 =	vsub.f32 v27, v18  }
0x50: {  	v34 =	vld [tilespmem:s21+$0x450];
	v28 =	vsub.f32 v28, v18;
	v29 =	vsub.f32 v29, v18  }
0x51: {  	v35 =	vld [tilespmem:s21+$0x460];
	v30 =	vsub.f32 v30, v18;
	v20 =	vmul.f32 v20, v19;
	v21 =	vmul.f32 v21, v19  }
0x52: {  	v31 =	vsub.f32 v31, v18;
	v22 =	vmul.f32 v22, v19;
	v23 =	vmul.f32 v23, v19  }
0x53: {  	s30 =	simm.s32 $0x80;
	s31 =	simm.s32 $0x100;
	v32 =	vsub.f32 v32, v18;
	v24 =	vmul.f32 v24, v19;
	v25 =	vmul.f32 v25, v19  }
0x54: {  	s22 =	sand.u32 $0x7800, s31;
	s21 =	sand.u32 $0x380, s30;
	v33 =	vsub.f32 v33, v18;
	v26 =	vmul.f32 v26, v19;
	v27 =	vmul.f32 v27, v19  }
0x55: {  	s21 =	sor.u32 s21, s22;
	v34 =	vsub.f32 v34, v18;
	v28 =	vmul.f32 v28, v19;
	v29 =	vmul.f32 v29, v19  }
0x56: {  	v36 =	vld [tilespmem:s21+$0x0];
	v35 =	vsub.f32 v35, v18;
	v30 =	vmul.f32 v30, v19;
	v31 =	vmul.f32 v31, v19  }
0x57: {  	v37 =	vld [tilespmem:s21+$0x10];
	v32 =	vmul.f32 v32, v19;
	v33 =	vmul.f32 v33, v19  }
0x58: {  	v39 =	vld [tilespmem:s21+$0x30];
	v34 =	vmul.f32 v34, v19;
	v35 =	vmul.f32 v35, v19  }
0x59: {  	v40 =	vld [tilespmem:s21+$0x40];
	v20 =	vtrunc.f32 v20;
	v21 =	vtrunc.f32 v21  }
0x5a: {  	v41 =	vld [tilespmem:s21+$0x50];
	v22 =	vtrunc.f32 v22;
	v23 =	vtrunc.f32 v23  }
0x5b: {  	v42 =	vld [tilespmem:s21+$0x60];
	v36 =	vsub.f32 v36, v18;
	v24 =	vtrunc.f32 v24;
	v25 =	vtrunc.f32 v25  }
0x5c: {  	v44 =	vld [tilespmem:s21+$0x400];
	v37 =	vsub.f32 v37, v18;
	v26 =	vtrunc.f32 v26;
	v27 =	vtrunc.f32 v27  }
0x5d: {  	v47 =	vld [tilespmem:s21+$0x430];
	v39 =	vsub.f32 v39, v18;
	v28 =	vtrunc.f32 v28;
	v29 =	vtrunc.f32 v29  }
0x5e: {  	v40 =	vsub.f32 v40, v18;
	v30 =	vtrunc.f32 v30;
	v31 =	vtrunc.f32 v31  }
0x5f: {  	v41 =	vsub.f32 v41, v18;
	v32 =	vtrunc.f32 v32;
	v33 =	vtrunc.f32 v33  }
0x60: {  	v42 =	vsub.f32 v42, v18;
	v34 =	vtrunc.f32 v34;
	v35 =	vtrunc.f32 v35  }
0x61: {  	v44 =	vsub.f32 v44, v18;
	v36 =	vmul.f32 v36, v19;
	v37 =	vmul.f32 v37, v19  }
0x62: {  	v56 =	vsub.f32 v47, v18;
	v39 =	vmul.f32 v39, v19;
	v40 =	vmul.f32 v40, v19  }
0x63: {  	v43 =	vld [tilespmem:s21+$0x70];
	v41 =	vmul.f32 v41, v19;
	v42 =	vmul.f32 v42, v19  }
0x64: {  	v45 =	vld [tilespmem:s21+$0x410];
	v44 =	vmul.f32 v44, v19;
	v59 =	vmul.f32 v56, v19  }
0x65: {  	v46 =	vld [tilespmem:s21+$0x420];
	v20 =	vcvt.f32.s32 v20;
	v21 =	vcvt.f32.s32 v21  }
0x66: {  	v48 =	vld [tilespmem:s21+$0x440];
	v22 =	vcvt.f32.s32 v22;
	v23 =	vcvt.f32.s32 v23  }
0x67: {  	v49 =	vld [tilespmem:s21+$0x450];
	v24 =	vcvt.f32.s32 v24;
	v25 =	vcvt.f32.s32 v25  }
0x68: {  	v53 =	vld [tilespmem:s21+$0x470];
	v43 =	vsub.f32 v43, v18;
	v26 =	vcvt.f32.s32 v26;
	v27 =	vcvt.f32.s32 v27  }
0x69: {  	v54 =	vsub.f32 v45, v18;
	v28 =	vcvt.f32.s32 v28;
	v29 =	vcvt.f32.s32 v29  }
0x6a: {  	v46 =	vsub.f32 v46, v18;
	v30 =	vcvt.f32.s32 v30;
	v31 =	vcvt.f32.s32 v31  }
0x6b: {  	v57 =	vsub.f32 v48, v18;
	v52 =	vcvt.f32.s32 v33;
	v34 =	vcvt.f32.s32 v34  }
0x6c: {  	v60 =	vsub.f32 v49, v18;
	v35 =	vcvt.f32.s32 v35;
	v36 =	vtrunc.f32 v36  }
0x6d: {  	v33 =	vsub.f32 v53, v18;
	v37 =	vtrunc.f32 v37;
	v39 =	vtrunc.f32 v39  }
0x6e: {  	v40 =	vtrunc.f32 v40;
	v41 =	vtrunc.f32 v41;
	v20 =	vshll.u32 v20, $0x8  }
0x6f: {  	v58 =	vtrunc.f32 v42;
	v44 =	vtrunc.f32 v44;
	v20 =	vor.u32 v17, v20  }
0x70: {  	v21 =	vshll.u32 v21, $0x8;
	v22 =	vshll.u32 v22, $0x8;
	v23 =	vshll.u32 v23, $0x8  }
0x71: {  	v24 =	vshll.u32 v24, $0x8;
	v26 =	vshll.u32 v26, $0x8;
	v27 =	vshll.u32 v27, $0x8  }
0x72: {  	v28 =	vshll.u32 v28, $0x8;
	v29 =	vshll.u32 v29, $0x8;
	v21 =	vor.u32 v1, v21  }
0x73: {  	v30 =	vshll.u32 v30, $0x8;
	v33 =	vmul.f32 v33, v19;
	v22 =	vor.u32 v3, v22  }
0x74: {  	v23 =	vor.u32 v4, v23;
	[tilespmem:v20+s14+$0x0] =	vst.idx.add.f32.msk $0xffff, v2;
	v20 =	vshll.u32 v25, $0x8;
	v25 =	vcvt.f32.s32 v32  }
0x75: {  	v55 =	vld [tilespmem:s21+$0x460];
	v31 =	vshll.u32 v31, $0x8;
	v26 =	vor.u32 v7, v26;
	v33 =	vtrunc.f32 v33  }
0x76: {  	v27 =	vor.u32 v8, v27;
	v33 =	vcvt.f32.s32 v33;
	v38 =	vshll.u32 v25, $0x8;
	v25 =	vld [tilespmem:s21+$0x20]  }
0x77: {  	v34 =	vshll.u32 v34, $0x8;
	v24 =	vor.u32 v5, v24;
	v29 =	vor.u32 v10, v29;
	[tilespmem:v21+s14+$0x0] =	vst.idx.add.f32.msk $0xffff, v2  }
0x78: {  	v28 =	vor.u32 v9, v28;
	v30 =	vor.u32 v11, v30;
	v33 =	vshll.u32 v33, $0x8;
	[tilespmem:v22+s14+$0x0] =	vst.idx.add.f32.msk $0xffff, v2  }
0x79: {  	v35 =	vshll.u32 v35, $0x8;
	v31 =	vor.u32 v12, v31;
	v33 =	vor.u32 v17, v33;
	[tilespmem:v23+s14+$0x0] =	vst.idx.add.f32.msk $0xffff, v2  }
0x7a: {  	v32 =	vshll.u32 v52, $0x8;
	v21 =	vmul.f32 v54, v19;
	v22 =	vmul.f32 v46, v19;
	[tilespmem:v26+s14+$0x0] =	vst.idx.add.f32.msk $0xffff, v2  }
0x7b: {  	v23 =	vmul.f32 v57, v19;
	[tilespmem:v27+s14+$0x0] =	vst.idx.add.f32.msk $0xffff, v2;
	v26 =	vcvt.f32.s32 v36;
	v25 =	vsub.f32 v25, v18  }
0x7c: {  	[tilespmem:v29+s14+$0x0] =	vst.idx.add.f32.msk $0xffff, v2;
	v29 =	vor.u32 v15, v34;
	v27 =	vcvt.f32.s32 v37;
	v36 =	vcvt.f32.s32 v39  }
0x7d: {  	[tilespmem:v28+s14+$0x0] =	vst.idx.add.f32.msk $0xffff, v2;
	v28 =	vor.u32 v16, v35;
	v35 =	vcvt.f32.s32 v40;
	v25 =	vmul.f32 v25, v19  }
0x7e: {  	[tilespmem:v31+s14+$0x0] =	vst.idx.add.f32.msk $0xffff, v2;
	v34 =	vcvt.f32.s32 v41;
	v31 =	vcvt.f32.s32 v58;
	v20 =	vor.u32 v6, v20  }
0x7f: {  	v62 =	vor.u32 v14, v32;
	v50 =	vtrunc.f32 v25;
	v25 =	vmul.f32 v43, v19  }
0x80: {  	[tilespmem:v24+s14+$0x0] =	vst.idx.add.f32.msk $0xffff, v2;
	v32 =	vcvt.f32.s32 v44;
	v24 =	vtrunc.f32 v21;
	v38 =	vor.u32 v13, v38  }
0x81: {  	[tilespmem:v30+s14+$0x0] =	vst.idx.add.f32.msk $0xffff, v2;
	v43 =	vmul.f32 v60, v19;
	v61 =	vtrunc.f32 v25;
	v25 =	vsub.f32 v55, v18  }
0x82: {  	v23 =	vtrunc.f32 v23;
	[tilespmem:v33+s14+$0x0] =	vst.idx.add.f32.msk $0xffff, v2;
	v63 =	vcvt.f32.s32 v50  }
0x83: {  	v26 =	vshll.u32 v26, $0x8;
	[tilespmem:v20+s14+$0x0] =	vst.idx.add.f32.msk $0xffff, v2;
	v20 =	vtrunc.f32 v43;
	v21 =	vmul.f32 v25, v19  }
0x84: {  	v27 =	vshll.u32 v27, $0x8;
	[tilespmem:v62+s14+$0x0] =	vst.idx.add.f32.msk $0xffff, v2;
	v33 =	vcvt.f32.s32 v61;
	v25 =	vtrunc.f32 v22  }
0x85: {  	s23 =	simm.s32 $0x200;
	s22 =	simm.s32 $0x100;
	s21 =	simm.s32 $0x10;
	[tilespmem:v38+s14+$0x0] =	vst.idx.add.f32.msk $0xffff, v2;
	v30 =	vshll.u32 v63, $0x8;
	v22 =	vtrunc.f32 v59;
	v21 =	vtrunc.f32 v21  }
.LBB2_5:
0x86: {  	s24 =	sand.u32 $0x7800, s23;
	s25 =	sand.u32 $0x380, s22;
	s21 =	sadd.s32 $0x10, s21;
	v36 =	vshll.u32 v36, $0x8;
	v24 =	vcvt.f32.s32 v24;
	v25 =	vcvt.f32.s32 v25;
	[tilespmem:v29+s14+$0x0] =	vst.idx.add.f32.msk $0xffff, v2  }
0x87: {  	v29 =	vshll.u32 v35, $0x8;
	v22 =	vcvt.f32.s32 v22;
	v23 =	vcvt.f32.s32 v23;
	s24 =	sor.u32 s25, s24;
	p0 =	slt.u32 s21, $0x7F0;
	[tilespmem:v28+s14+$0x0] =	vst.idx.add.f32.msk $0xffff, v2  }
0x88: {  	v34 =	vshll.u32 v34, $0x8;
	v20 =	vcvt.f32.s32 v20;
	v21 =	vcvt.f32.s32 v21;
	v28 =	vld [tilespmem:s24+$0x470]  }
0x89: {  	v31 =	vshll.u32 v31, $0x8;
	v33 =	vshll.u32 v33, $0x8;
	v32 =	vshll.u32 v32, $0x8;
	v35 =	vld [tilespmem:s24+$0x0]  }
0x8a: {  	v24 =	vshll.u32 v24, $0x8;
	v25 =	vshll.u32 v25, $0x8;
	v38 =	vshll.u32 v22, $0x8;
	v37 =	vld [tilespmem:s24+$0x10]  }
0x8b: {  	v39 =	vshll.u32 v23, $0x8;
	v40 =	vshll.u32 v20, $0x8;
	v41 =	vshll.u32 v21, $0x8;
	v22 =	vld [tilespmem:s24+$0x20]  }
0x8c: {  	v21 =	vor.u32 v1, v26;
	v23 =	vor.u32 v3, v27;
	v26 =	vor.u32 v4, v30;
	v20 =	vld [tilespmem:s24+$0x30]  }
0x8d: {  	v29 =	vor.u32 v6, v29;
	v30 =	vor.u32 v5, v36;
	v27 =	vld [tilespmem:s24+$0x40];
	v28 =	vsub.f32 v28, v18  }
0x8e: {  	v34 =	vor.u32 v7, v34;
	v31 =	vor.u32 v8, v31;
	v35 =	vsub.f32 v35, v18;
	v36 =	vld [tilespmem:s24+$0x50]  }
0x8f: {  	v33 =	vor.u32 v9, v33;
	v37 =	vsub.f32 v37, v18;
	v42 =	vld [tilespmem:s24+$0x60];
	v28 =	vmul.f32 v28, v19  }
0x90: {  	v32 =	vor.u32 v10, v32;
	v35 =	vmul.f32 v35, v19;
	v22 =	vsub.f32 v22, v18;
	v43 =	vld [tilespmem:s24+$0x70]  }
0x91: {  	v37 =	vmul.f32 v37, v19;
	v20 =	vsub.f32 v20, v18;
	v44 =	vld [tilespmem:s24+$0x400];
	v28 =	vtrunc.f32 v28  }
0x92: {  	v22 =	vmul.f32 v22, v19;
	v27 =	vsub.f32 v27, v18;
	v45 =	vld [tilespmem:s24+$0x410];
	v28 =	vcvt.f32.s32 v28  }
0x93: {  	v35 =	vtrunc.f32 v35;
	v20 =	vmul.f32 v20, v19;
	v36 =	vsub.f32 v36, v18;
	v46 =	vld [tilespmem:s24+$0x420]  }
0x94: {  	v27 =	vmul.f32 v27, v19;
	v42 =	vsub.f32 v42, v18;
	v47 =	vld [tilespmem:s24+$0x430];
	v28 =	vshll.u32 v28, $0x8  }
0x95: {  	v36 =	vmul.f32 v36, v19;
	v43 =	vsub.f32 v43, v18;
	v48 =	vld [tilespmem:s24+$0x440];
	v28 =	vor.u32 v17, v28  }
0x96: {  	v37 =	vtrunc.f32 v37;
	v42 =	vmul.f32 v42, v19;
	v44 =	vsub.f32 v44, v18;
	v49 =	vld [tilespmem:s24+$0x450]  }
0x97: {  	v50 =	vtrunc.f32 v22;
	v22 =	vmul.f32 v43, v19;
	v43 =	vsub.f32 v45, v18;
	v45 =	vld [tilespmem:s24+$0x460]  }
0x98: {  	v51 =	vtrunc.f32 v20;
	v20 =	vmul.f32 v44, v19;
	v44 =	vsub.f32 v46, v18;
	[tilespmem:v21+s14+$0x0] =	vst.idx.add.f32.msk $0xffff, v2  }
0x99: {  	v27 =	vtrunc.f32 v27;
	v21 =	vmul.f32 v43, v19;
	v43 =	vsub.f32 v47, v18;
	[tilespmem:v23+s14+$0x0] =	vst.idx.add.f32.msk $0xffff, v2  }
0x9a: {  	v46 =	vtrunc.f32 v36;
	v23 =	vmul.f32 v44, v19;
	v36 =	vsub.f32 v48, v18;
	[tilespmem:v28+s14+$0x0] =	vst.idx.add.f32.msk $0xffff, v2  }
0x9b: {  	v42 =	vtrunc.f32 v42;
	v28 =	vmul.f32 v43, v19;
	v43 =	vsub.f32 v49, v18;
	[tilespmem:v26+s14+$0x0] =	vst.idx.add.f32.msk $0xffff, v2  }
0x9c: {  	v44 =	vtrunc.f32 v22;
	v26 =	vmul.f32 v36, v19;
	v22 =	vsub.f32 v45, v18;
	[tilespmem:v30+s14+$0x0] =	vst.idx.add.f32.msk $0xffff, v2  }
0x9d: {  	v45 =	vtrunc.f32 v20;
	v30 =	vor.u32 v11, v24;
	v20 =	vmul.f32 v43, v19;
	[tilespmem:v29+s14+$0x0] =	vst.idx.add.f32.msk $0xffff, v2  }
0x9e: {  	v24 =	vtrunc.f32 v21;
	v21 =	vmul.f32 v22, v19;
	[tilespmem:v34+s14+$0x0] =	vst.idx.add.f32.msk $0xffff, v2;
	v34 =	vor.u32 v12, v25  }
0x9f: {  	v38 =	vor.u32 v13, v38;
	v25 =	vtrunc.f32 v23;
	v22 =	vtrunc.f32 v28;
	[tilespmem:v31+s14+$0x0] =	vst.idx.add.f32.msk $0xffff, v2  }
0xa0: {  	v39 =	vor.u32 v14, v39;
	v23 =	vtrunc.f32 v26;
	v20 =	vtrunc.f32 v20;
	[tilespmem:v33+s14+$0x0] =	vst.idx.add.f32.msk $0xffff, v2  }
.Ltmp3:
0xa1: {  	v29 =	vor.u32 v15, v40;
	v26 =	vcvt.f32.s32 v35;
	v21 =	vtrunc.f32 v21;
	[tilespmem:v32+s14+$0x0] =	vst.idx.add.f32.msk $0xffff, v2;
	(pc) =	sbr.rel @p0 .LBB2_5-.Ltmp3, $4  }
0xa2: {  	v28 =	vor.u32 v16, v41;
	v31 =	vcvt.f32.s32 v37;
	v32 =	vcvt.f32.s32 v50;
	[tilespmem:v30+s14+$0x0] =	vst.idx.add.f32.msk $0xffff, v2  }
0xa3: {  	v36 =	vcvt.f32.s32 v51;
	v35 =	vcvt.f32.s32 v27;
	v26 =	vshll.u32 v26, $0x8;
	[tilespmem:v34+s14+$0x0] =	vst.idx.add.f32.msk $0xffff, v2  }
0xa4: {  	v27 =	vshll.u32 v31, $0x8;
	v31 =	vcvt.f32.s32 v42;
	v34 =	vcvt.f32.s32 v46;
	[tilespmem:v38+s14+$0x0] =	vst.idx.add.f32.msk $0xffff, v2  }
0xa5: {  	s22 =	sadd.s32 $0x80, s22;
	s23 =	sadd.s32 $0x100, s23;
	v33 =	vcvt.f32.s32 v44;
	v30 =	vshll.u32 v32, $0x8;
	v32 =	vcvt.f32.s32 v45;
	[tilespmem:v39+s14+$0x0] =	vst.idx.add.f32.msk $0xffff, v2  }
0xa6: {  	_ = 	snop  }
0xa7: {  	v26 =	vor.u32 v1, v26  }
0xa8: {  	v27 =	vor.u32 v3, v27  }
0xa9: {  	v36 =	vshll.u32 v36, $0x8;
	v30 =	vor.u32 v4, v30  }
0xaa: {  	[tilespmem:v29+s14+$0x0] =	vst.idx.add.f32.msk $0xffff, v2;
	v29 =	vshll.u32 v35, $0x8;
	v46 =	vor.u32 v5, v36  }
0xab: {  	[tilespmem:v28+s14+$0x0] =	vst.idx.add.f32.msk $0xffff, v2;
	v28 =	vshll.u32 v34, $0x8;
	v24 =	vcvt.f32.s32 v24;
	v29 =	vor.u32 v6, v29  }
0xac: {  	v31 =	vshll.u32 v31, $0x8;
	v25 =	vcvt.f32.s32 v25;
	v28 =	vor.u32 v7, v28;
	[tilespmem:v26+s14+$0x0] =	vst.idx.add.f32.msk $0xffff, v2  }
0xad: {  	v22 =	vcvt.f32.s32 v22;
	v31 =	vor.u32 v8, v31;
	v24 =	vshll.u32 v24, $0x8;
	[tilespmem:v27+s14+$0x0] =	vst.idx.add.f32.msk $0xffff, v2  }
0xae: {  	v23 =	vcvt.f32.s32 v23;
	v25 =	vshll.u32 v25, $0x8;
	v24 =	vor.u32 v11, v24;
	[tilespmem:v30+s14+$0x0] =	vst.idx.add.f32.msk $0xffff, v2  }
0xaf: {  	v20 =	vcvt.f32.s32 v20;
	v22 =	vshll.u32 v22, $0x8;
	v25 =	vor.u32 v12, v25;
	[tilespmem:v46+s14+$0x0] =	vst.idx.add.f32.msk $0xffff, v2  }
0xb0: {  	v21 =	vcvt.f32.s32 v21;
	v23 =	vshll.u32 v23, $0x8;
	v22 =	vor.u32 v13, v22;
	[tilespmem:v29+s14+$0x0] =	vst.idx.add.f32.msk $0xffff, v2  }
0xb1: {  	v20 =	vshll.u32 v20, $0x8;
	v23 =	vor.u32 v14, v23;
	[tilespmem:v28+s14+$0x0] =	vst.idx.add.f32.msk $0xffff, v2  }
0xb2: {  	v21 =	vshll.u32 v21, $0x8;
	v20 =	vor.u32 v15, v20;
	[tilespmem:v31+s14+$0x0] =	vst.idx.add.f32.msk $0xffff, v2  }
0xb3: {  	v21 =	vor.u32 v16, v21;
	v26 =	vshll.u32 v33, $0x8;
	[tilespmem:v24+s14+$0x0] =	vst.idx.add.f32.msk $0xffff, v2  }
0xb4: {  	v27 =	vshll.u32 v32, $0x8;
	v26 =	vor.u32 v9, v26;
	[tilespmem:v25+s14+$0x0] =	vst.idx.add.f32.msk $0xffff, v2  }
0xb5: {  	v27 =	vor.u32 v10, v27;
	[tilespmem:v22+s14+$0x0] =	vst.idx.add.f32.msk $0xffff, v2  }
0xb6: {  	[tilespmem:v23+s14+$0x0] =	vst.idx.add.f32.msk $0xffff, v2  }
0xb7: {  	[tilespmem:v20+s14+$0x0] =	vst.idx.add.f32.msk $0xffff, v2  }
0xb8: {  	[tilespmem:v21+s14+$0x0] =	vst.idx.add.f32.msk $0xffff, v2  }
0xb9: {  	s21 =	sshll.u32 s20, $0xD;
	p0 =	seq.s32 s20, $0xF;
	[tilespmem:v26+s14+$0x0] =	vst.idx.add.f32.msk $0xffff, v2  }
0xba: {  	s22 =	sadd.s32 @!p0 s21, s6;
	s23 =	simm.s32 @!p0 $0x0;
	[tilespmem:v27+s14+$0x0] =	vst.idx.add.f32.msk $0xffff, v2  }
0xbb: {  	[tilespmem:s23], [sflag:$0x1] =	stream.linear.gather @!p0 [hbm4b:s22+s23], $0x8000, $0x38;
	[tilespmem:$0x12200] =	vst v63  }
0xbc: {  	s28 =	simm.s32 $0x0;
	_ =	swait.ge [sflag:s15], $0x8000  }
0xbd: {  	s29 =	sand.u32 $0x7800, s28;
	s22 =	sand.u32 $0x380, s28;
	[sflag:s15] =	ssyncset.done $0x0  }
0xbe: {  	s22 =	sor.u32 s22, s29;
	[sflag:s15] =	ssyncadd.s32 $0xFFFF8000  }
0xbf: {  	v20 =	vld [tilespmem:s22+$0x8470]  }
0xc0: {  	v21 =	vld [tilespmem:s22+$0x8000]  }
0xc1: {  	v22 =	vld [tilespmem:s22+$0x8010]  }
0xc2: {  	v23 =	vld [tilespmem:s22+$0x8020]  }
0xc3: {  	v24 =	vld [tilespmem:s22+$0x8030]  }
0xc4: {  	v25 =	vld [tilespmem:s22+$0x8040]  }
0xc5: {  	v26 =	vld [tilespmem:s22+$0x8050]  }
0xc6: {  	v27 =	vld [tilespmem:s22+$0x8060]  }
0xc7: {  	v28 =	vld [tilespmem:s22+$0x8070]  }
0xc8: {  	v29 =	vld [tilespmem:s22+$0x8400]  }
0xc9: {  	v30 =	vld [tilespmem:s22+$0x8410];
	v20 =	vsub.f32 v20, v18;
	v21 =	vsub.f32 v21, v18  }
0xca: {  	v31 =	vld [tilespmem:s22+$0x8420];
	v22 =	vsub.f32 v22, v18;
	v23 =	vsub.f32 v23, v18  }
0xcb: {  	v47 =	vld [tilespmem:s22+$0x8430];
	v24 =	vsub.f32 v24, v18;
	v25 =	vsub.f32 v25, v18  }
0xcc: {  	v48 =	vld [tilespmem:s22+$0x8440];
	v26 =	vsub.f32 v26, v18;
	v27 =	vsub.f32 v27, v18  }
0xcd: {  	v49 =	vld [tilespmem:s22+$0x8450];
	v28 =	vsub.f32 v28, v18;
	v29 =	vsub.f32 v29, v18;
	v20 =	vmul.f32 v20, v19  }
0xce: {  	v50 =	vld [tilespmem:s22+$0x8460];
	v30 =	vsub.f32 v30, v18;
	v21 =	vmul.f32 v21, v19;
	v22 =	vmul.f32 v22, v19  }
0xcf: {  	v31 =	vsub.f32 v31, v18;
	v23 =	vmul.f32 v23, v19;
	v24 =	vmul.f32 v24, v19  }
0xd0: {  	s30 =	simm.s32 $0x80;
	s31 =	simm.s32 $0x100;
	v32 =	vsub.f32 v47, v18;
	v25 =	vmul.f32 v25, v19;
	v26 =	vmul.f32 v26, v19  }
0xd1: {  	s23 =	sand.u32 $0x7800, s31;
	s22 =	sand.u32 $0x380, s30;
	v33 =	vsub.f32 v48, v18;
	v27 =	vmul.f32 v27, v19;
	v28 =	vmul.f32 v28, v19  }
0xd2: {  	s22 =	sor.u32 s22, s23;
	v34 =	vsub.f32 v49, v18;
	v29 =	vmul.f32 v29, v19;
	v30 =	vmul.f32 v30, v19  }
0xd3: {  	v53 =	vld [tilespmem:s22+$0x8000];
	v35 =	vsub.f32 v50, v18;
	v31 =	vmul.f32 v31, v19;
	v32 =	vmul.f32 v32, v19  }
0xd4: {  	v37 =	vld [tilespmem:s22+$0x8010];
	v33 =	vmul.f32 v33, v19;
	v34 =	vmul.f32 v34, v19  }
0xd5: {  	v39 =	vld [tilespmem:s22+$0x8030];
	v35 =	vmul.f32 v35, v19;
	v20 =	vtrunc.f32 v20  }
0xd6: {  	v40 =	vld [tilespmem:s22+$0x8040];
	v21 =	vtrunc.f32 v21;
	v22 =	vtrunc.f32 v22  }
0xd7: {  	v41 =	vld [tilespmem:s22+$0x8050];
	v23 =	vtrunc.f32 v23;
	v24 =	vtrunc.f32 v24  }
0xd8: {  	v42 =	vld [tilespmem:s22+$0x8060];
	v36 =	vsub.f32 v53, v18;
	v25 =	vtrunc.f32 v25;
	v26 =	vtrunc.f32 v26  }
0xd9: {  	v44 =	vld [tilespmem:s22+$0x8400];
	v37 =	vsub.f32 v37, v18;
	v27 =	vtrunc.f32 v27;
	v28 =	vtrunc.f32 v28  }
0xda: {  	v39 =	vsub.f32 v39, v18;
	v29 =	vtrunc.f32 v29;
	v30 =	vtrunc.f32 v30  }
0xdb: {  	v40 =	vsub.f32 v40, v18;
	v31 =	vtrunc.f32 v31;
	v32 =	vtrunc.f32 v32  }
0xdc: {  	v41 =	vsub.f32 v41, v18;
	v33 =	vtrunc.f32 v33;
	v34 =	vtrunc.f32 v34  }
0xdd: {  	v42 =	vsub.f32 v42, v18;
	v35 =	vtrunc.f32 v35;
	v36 =	vmul.f32 v36, v19  }
0xde: {  	v44 =	vsub.f32 v44, v18;
	v37 =	vmul.f32 v37, v19;
	v39 =	vmul.f32 v39, v19  }
0xdf: {  	v52 =	vld [tilespmem:s22+$0x8470];
	v40 =	vmul.f32 v40, v19;
	v41 =	vmul.f32 v41, v19  }
0xe0: {  	v43 =	vld [tilespmem:s22+$0x8070];
	v42 =	vmul.f32 v42, v19;
	v44 =	vmul.f32 v44, v19  }
0xe1: {  	v45 =	vld [tilespmem:s22+$0x8410];
	v20 =	vcvt.f32.s32 v20;
	v21 =	vcvt.f32.s32 v21  }
0xe2: {  	v46 =	vld [tilespmem:s22+$0x8420];
	v22 =	vcvt.f32.s32 v22;
	v23 =	vcvt.f32.s32 v23  }
0xe3: {  	v47 =	vld [tilespmem:s22+$0x8430];
	v24 =	vcvt.f32.s32 v24;
	v25 =	vcvt.f32.s32 v25  }
0xe4: {  	v48 =	vld [tilespmem:s22+$0x8440];
	v26 =	vcvt.f32.s32 v26;
	v27 =	vcvt.f32.s32 v27  }
0xe5: {  	v49 =	vld [tilespmem:s22+$0x8450];
	v43 =	vsub.f32 v43, v18;
	v28 =	vcvt.f32.s32 v28;
	v29 =	vcvt.f32.s32 v29  }
0xe6: {  	v54 =	vsub.f32 v45, v18;
	v30 =	vcvt.f32.s32 v30;
	v31 =	vcvt.f32.s32 v31  }
0xe7: {  	v46 =	vsub.f32 v46, v18;
	v51 =	vcvt.f32.s32 v33;
	v34 =	vcvt.f32.s32 v34  }
0xe8: {  	v35 =	vcvt.f32.s32 v35;
	v33 =	vsub.f32 v52, v18;
	v56 =	vsub.f32 v47, v18  }
0xe9: {  	v57 =	vsub.f32 v48, v18;
	v36 =	vtrunc.f32 v36;
	v37 =	vtrunc.f32 v37  }
0xea: {  	v60 =	vsub.f32 v49, v18;
	v39 =	vtrunc.f32 v39;
	v40 =	vtrunc.f32 v40  }
0xeb: {  	v41 =	vtrunc.f32 v41;
	v58 =	vtrunc.f32 v42;
	v20 =	vshll.u32 v20, $0x8  }
0xec: {  	v44 =	vtrunc.f32 v44;
	v21 =	vshll.u32 v21, $0x8;
	v20 =	vor.u32 v17, v20  }
0xed: {  	v22 =	vshll.u32 v22, $0x8;
	v23 =	vshll.u32 v23, $0x8;
	v24 =	vshll.u32 v24, $0x8  }
0xee: {  	v26 =	vshll.u32 v26, $0x8;
	v27 =	vshll.u32 v27, $0x8;
	v28 =	vshll.u32 v28, $0x8  }
0xef: {  	v29 =	vshll.u32 v29, $0x8;
	v30 =	vshll.u32 v30, $0x8;
	v21 =	vor.u32 v1, v21  }
0xf0: {  	v31 =	vshll.u32 v31, $0x8;
	v33 =	vmul.f32 v33, v19;
	v22 =	vor.u32 v3, v22  }
0xf1: {  	v23 =	vor.u32 v4, v23;
	[tilespmem:v20+s14+$0x0] =	vst.idx.add.f32.msk $0xffff, v2;
	v20 =	vshll.u32 v25, $0x8;
	v25 =	vcvt.f32.s32 v32  }
0xf2: {  	v55 =	vld [tilespmem:s22+$0x8460];
	v59 =	vmul.f32 v56, v19;
	v26 =	vor.u32 v7, v26;
	v33 =	vtrunc.f32 v33  }
0xf3: {  	v27 =	vor.u32 v8, v27;
	v33 =	vcvt.f32.s32 v33;
	v38 =	vshll.u32 v25, $0x8;
	v25 =	vld [tilespmem:s22+$0x8020]  }
0xf4: {  	v34 =	vshll.u32 v34, $0x8;
	v24 =	vor.u32 v5, v24;
	v29 =	vor.u32 v10, v29;
	[tilespmem:v21+s14+$0x0] =	vst.idx.add.f32.msk $0xffff, v2  }
0xf5: {  	v28 =	vor.u32 v9, v28;
	v30 =	vor.u32 v11, v30;
	v33 =	vshll.u32 v33, $0x8;
	[tilespmem:v22+s14+$0x0] =	vst.idx.add.f32.msk $0xffff, v2  }
0xf6: {  	v35 =	vshll.u32 v35, $0x8;
	v31 =	vor.u32 v12, v31;
	v33 =	vor.u32 v17, v33;
	[tilespmem:v23+s14+$0x0] =	vst.idx.add.f32.msk $0xffff, v2  }
0xf7: {  	v32 =	vshll.u32 v51, $0x8;
	v21 =	vmul.f32 v54, v19;
	v22 =	vmul.f32 v46, v19;
	[tilespmem:v26+s14+$0x0] =	vst.idx.add.f32.msk $0xffff, v2  }
0xf8: {  	v23 =	vmul.f32 v57, v19;
	[tilespmem:v27+s14+$0x0] =	vst.idx.add.f32.msk $0xffff, v2;
	v26 =	vcvt.f32.s32 v36;
	v25 =	vsub.f32 v25, v18  }
0xf9: {  	[tilespmem:v29+s14+$0x0] =	vst.idx.add.f32.msk $0xffff, v2;
	v29 =	vor.u32 v15, v34;
	v27 =	vcvt.f32.s32 v37;
	v36 =	vcvt.f32.s32 v39  }
0xfa: {  	[tilespmem:v28+s14+$0x0] =	vst.idx.add.f32.msk $0xffff, v2;
	v28 =	vor.u32 v16, v35;
	v35 =	vcvt.f32.s32 v40;
	v25 =	vmul.f32 v25, v19  }
0xfb: {  	[tilespmem:v31+s14+$0x0] =	vst.idx.add.f32.msk $0xffff, v2;
	v34 =	vcvt.f32.s32 v41;
	v31 =	vcvt.f32.s32 v58;
	v20 =	vor.u32 v6, v20  }
0xfc: {  	v62 =	vor.u32 v14, v32;
	v50 =	vtrunc.f32 v25;
	v25 =	vmul.f32 v43, v19  }
0xfd: {  	[tilespmem:v24+s14+$0x0] =	vst.idx.add.f32.msk $0xffff, v2;
	v32 =	vcvt.f32.s32 v44;
	v24 =	vtrunc.f32 v21;
	v38 =	vor.u32 v13, v38  }
0xfe: {  	[tilespmem:v30+s14+$0x0] =	vst.idx.add.f32.msk $0xffff, v2;
	v43 =	vmul.f32 v60, v19;
	v61 =	vtrunc.f32 v25;
	v25 =	vsub.f32 v55, v18  }
0xff: {  	v23 =	vtrunc.f32 v23;
	[tilespmem:v33+s14+$0x0] =	vst.idx.add.f32.msk $0xffff, v2;
	v63 =	vcvt.f32.s32 v50  }
0x100: {  	v26 =	vshll.u32 v26, $0x8;
	[tilespmem:v20+s14+$0x0] =	vst.idx.add.f32.msk $0xffff, v2;
	v20 =	vtrunc.f32 v43;
	v21 =	vmul.f32 v25, v19  }
0x101: {  	v27 =	vshll.u32 v27, $0x8;
	[tilespmem:v62+s14+$0x0] =	vst.idx.add.f32.msk $0xffff, v2;
	v33 =	vcvt.f32.s32 v61;
	v25 =	vtrunc.f32 v22  }
0x102: {  	s24 =	simm.s32 $0x200;
	s23 =	simm.s32 $0x100;
	s22 =	simm.s32 $0x10;
	[tilespmem:v38+s14+$0x0] =	vst.idx.add.f32.msk $0xffff, v2;
	v30 =	vshll.u32 v63, $0x8;
	v22 =	vtrunc.f32 v59;
	v21 =	vtrunc.f32 v21  }
.LBB2_7:
0x103: {  	s25 =	sand.u32 $0x7800, s24;
	s26 =	sand.u32 $0x380, s23;
	s22 =	sadd.s32 $0x10, s22;
	v36 =	vshll.u32 v36, $0x8;
	v24 =	vcvt.f32.s32 v24;
	v25 =	vcvt.f32.s32 v25;
	[tilespmem:v29+s14+$0x0] =	vst.idx.add.f32.msk $0xffff, v2  }
0x104: {  	v29 =	vshll.u32 v35, $0x8;
	v22 =	vcvt.f32.s32 v22;
	v23 =	vcvt.f32.s32 v23;
	s25 =	sor.u32 s26, s25;
	p1 =	slt.u32 s22, $0x7F0;
	[tilespmem:v28+s14+$0x0] =	vst.idx.add.f32.msk $0xffff, v2  }
0x105: {  	v34 =	vshll.u32 v34, $0x8;
	v20 =	vcvt.f32.s32 v20;
	v21 =	vcvt.f32.s32 v21;
	v28 =	vld [tilespmem:s25+$0x8470]  }
0x106: {  	v31 =	vshll.u32 v31, $0x8;
	v33 =	vshll.u32 v33, $0x8;
	v32 =	vshll.u32 v32, $0x8;
	v35 =	vld [tilespmem:s25+$0x8000]  }
0x107: {  	v24 =	vshll.u32 v24, $0x8;
	v25 =	vshll.u32 v25, $0x8;
	v38 =	vshll.u32 v22, $0x8;
	v37 =	vld [tilespmem:s25+$0x8010]  }
0x108: {  	v39 =	vshll.u32 v23, $0x8;
	v40 =	vshll.u32 v20, $0x8;
	v41 =	vshll.u32 v21, $0x8;
	v22 =	vld [tilespmem:s25+$0x8020]  }
0x109: {  	v21 =	vor.u32 v1, v26;
	v23 =	vor.u32 v3, v27;
	v26 =	vor.u32 v4, v30;
	v20 =	vld [tilespmem:s25+$0x8030]  }
0x10a: {  	v29 =	vor.u32 v6, v29;
	v30 =	vor.u32 v5, v36;
	v27 =	vld [tilespmem:s25+$0x8040];
	v28 =	vsub.f32 v28, v18  }
0x10b: {  	v34 =	vor.u32 v7, v34;
	v31 =	vor.u32 v8, v31;
	v35 =	vsub.f32 v35, v18;
	v36 =	vld [tilespmem:s25+$0x8050]  }
0x10c: {  	v33 =	vor.u32 v9, v33;
	v37 =	vsub.f32 v37, v18;
	v42 =	vld [tilespmem:s25+$0x8060];
	v28 =	vmul.f32 v28, v19  }
0x10d: {  	v32 =	vor.u32 v10, v32;
	v35 =	vmul.f32 v35, v19;
	v22 =	vsub.f32 v22, v18;
	v43 =	vld [tilespmem:s25+$0x8070]  }
0x10e: {  	v37 =	vmul.f32 v37, v19;
	v20 =	vsub.f32 v20, v18;
	v44 =	vld [tilespmem:s25+$0x8400];
	v28 =	vtrunc.f32 v28  }
0x10f: {  	v22 =	vmul.f32 v22, v19;
	v27 =	vsub.f32 v27, v18;
	v45 =	vld [tilespmem:s25+$0x8410];
	v28 =	vcvt.f32.s32 v28  }
0x110: {  	v35 =	vtrunc.f32 v35;
	v20 =	vmul.f32 v20, v19;
	v36 =	vsub.f32 v36, v18;
	v46 =	vld [tilespmem:s25+$0x8420]  }
0x111: {  	v27 =	vmul.f32 v27, v19;
	v42 =	vsub.f32 v42, v18;
	v47 =	vld [tilespmem:s25+$0x8430];
	v28 =	vshll.u32 v28, $0x8  }
0x112: {  	v36 =	vmul.f32 v36, v19;
	v43 =	vsub.f32 v43, v18;
	v48 =	vld [tilespmem:s25+$0x8440];
	v28 =	vor.u32 v17, v28  }
0x113: {  	v37 =	vtrunc.f32 v37;
	v42 =	vmul.f32 v42, v19;
	v44 =	vsub.f32 v44, v18;
	v49 =	vld [tilespmem:s25+$0x8450]  }
0x114: {  	v50 =	vtrunc.f32 v22;
	v22 =	vmul.f32 v43, v19;
	v43 =	vsub.f32 v45, v18;
	v45 =	vld [tilespmem:s25+$0x8460]  }
0x115: {  	v51 =	vtrunc.f32 v20;
	v20 =	vmul.f32 v44, v19;
	v44 =	vsub.f32 v46, v18;
	[tilespmem:v21+s14+$0x0] =	vst.idx.add.f32.msk $0xffff, v2  }
0x116: {  	v27 =	vtrunc.f32 v27;
	v21 =	vmul.f32 v43, v19;
	v43 =	vsub.f32 v47, v18;
	[tilespmem:v23+s14+$0x0] =	vst.idx.add.f32.msk $0xffff, v2  }
0x117: {  	v46 =	vtrunc.f32 v36;
	v23 =	vmul.f32 v44, v19;
	v36 =	vsub.f32 v48, v18;
	[tilespmem:v28+s14+$0x0] =	vst.idx.add.f32.msk $0xffff, v2  }
0x118: {  	v42 =	vtrunc.f32 v42;
	v28 =	vmul.f32 v43, v19;
	v43 =	vsub.f32 v49, v18;
	[tilespmem:v26+s14+$0x0] =	vst.idx.add.f32.msk $0xffff, v2  }
0x119: {  	v44 =	vtrunc.f32 v22;
	v26 =	vmul.f32 v36, v19;
	v22 =	vsub.f32 v45, v18;
	[tilespmem:v30+s14+$0x0] =	vst.idx.add.f32.msk $0xffff, v2  }
0x11a: {  	v45 =	vtrunc.f32 v20;
	v30 =	vor.u32 v11, v24;
	v20 =	vmul.f32 v43, v19;
	[tilespmem:v29+s14+$0x0] =	vst.idx.add.f32.msk $0xffff, v2  }
0x11b: {  	v24 =	vtrunc.f32 v21;
	v21 =	vmul.f32 v22, v19;
	[tilespmem:v34+s14+$0x0] =	vst.idx.add.f32.msk $0xffff, v2;
	v34 =	vor.u32 v12, v25  }
0x11c: {  	v38 =	vor.u32 v13, v38;
	v25 =	vtrunc.f32 v23;
	v22 =	vtrunc.f32 v28;
	[tilespmem:v31+s14+$0x0] =	vst.idx.add.f32.msk $0xffff, v2  }
0x11d: {  	v39 =	vor.u32 v14, v39;
	v23 =	vtrunc.f32 v26;
	v20 =	vtrunc.f32 v20;
	[tilespmem:v33+s14+$0x0] =	vst.idx.add.f32.msk $0xffff, v2  }
.Ltmp4:
0x11e: {  	v29 =	vor.u32 v15, v40;
	v26 =	vcvt.f32.s32 v35;
	v21 =	vtrunc.f32 v21;
	[tilespmem:v32+s14+$0x0] =	vst.idx.add.f32.msk $0xffff, v2;
	(pc) =	sbr.rel @p1 .LBB2_7-.Ltmp4, $4  }
0x11f: {  	v28 =	vor.u32 v16, v41;
	v31 =	vcvt.f32.s32 v37;
	v32 =	vcvt.f32.s32 v50;
	[tilespmem:v30+s14+$0x0] =	vst.idx.add.f32.msk $0xffff, v2  }
0x120: {  	v36 =	vcvt.f32.s32 v51;
	v35 =	vcvt.f32.s32 v27;
	v26 =	vshll.u32 v26, $0x8;
	[tilespmem:v34+s14+$0x0] =	vst.idx.add.f32.msk $0xffff, v2  }
0x121: {  	v27 =	vshll.u32 v31, $0x8;
	v31 =	vcvt.f32.s32 v42;
	v34 =	vcvt.f32.s32 v46;
	[tilespmem:v38+s14+$0x0] =	vst.idx.add.f32.msk $0xffff, v2  }
0x122: {  	s23 =	sadd.s32 $0x80, s23;
	s24 =	sadd.s32 $0x100, s24;
	v33 =	vcvt.f32.s32 v44;
	v30 =	vshll.u32 v32, $0x8;
	v32 =	vcvt.f32.s32 v45;
	[tilespmem:v39+s14+$0x0] =	vst.idx.add.f32.msk $0xffff, v2  }
0x123: {  	_ = 	snop  }
0x124: {  	v26 =	vor.u32 v1, v26  }
0x125: {  	v27 =	vor.u32 v3, v27  }
0x126: {  	v36 =	vshll.u32 v36, $0x8;
	v30 =	vor.u32 v4, v30  }
0x127: {  	[tilespmem:v29+s14+$0x0] =	vst.idx.add.f32.msk $0xffff, v2;
	v59 =	vshll.u32 v35, $0x8;
	v60 =	vor.u32 v5, v36  }
0x128: {  	[tilespmem:v28+s14+$0x0] =	vst.idx.add.f32.msk $0xffff, v2;
	v61 =	vshll.u32 v34, $0x8;
	v24 =	vcvt.f32.s32 v24;
	v29 =	vor.u32 v6, v59  }
0x129: {  	v31 =	vshll.u32 v31, $0x8;
	v25 =	vcvt.f32.s32 v25;
	v28 =	vor.u32 v7, v61;
	[tilespmem:v26+s14+$0x0] =	vst.idx.add.f32.msk $0xffff, v2  }
0x12a: {  	v22 =	vcvt.f32.s32 v22;
	v31 =	vor.u32 v8, v31;
	v24 =	vshll.u32 v24, $0x8;
	[tilespmem:v27+s14+$0x0] =	vst.idx.add.f32.msk $0xffff, v2  }
0x12b: {  	v23 =	vcvt.f32.s32 v23;
	v25 =	vshll.u32 v25, $0x8;
	v24 =	vor.u32 v11, v24;
	[tilespmem:v30+s14+$0x0] =	vst.idx.add.f32.msk $0xffff, v2  }
0x12c: {  	v20 =	vcvt.f32.s32 v20;
	v22 =	vshll.u32 v22, $0x8;
	v25 =	vor.u32 v12, v25;
	[tilespmem:v60+s14+$0x0] =	vst.idx.add.f32.msk $0xffff, v2  }
0x12d: {  	v21 =	vcvt.f32.s32 v21;
	v23 =	vshll.u32 v23, $0x8;
	v22 =	vor.u32 v13, v22;
	[tilespmem:v29+s14+$0x0] =	vst.idx.add.f32.msk $0xffff, v2  }
0x12e: {  	v20 =	vshll.u32 v20, $0x8;
	v23 =	vor.u32 v14, v23;
	[tilespmem:v28+s14+$0x0] =	vst.idx.add.f32.msk $0xffff, v2  }
0x12f: {  	v21 =	vshll.u32 v21, $0x8;
	v20 =	vor.u32 v15, v20;
	[tilespmem:v31+s14+$0x0] =	vst.idx.add.f32.msk $0xffff, v2  }
0x130: {  	v62 =	vshll.u32 v33, $0x8;
	v21 =	vor.u32 v16, v21;
	[tilespmem:v24+s14+$0x0] =	vst.idx.add.f32.msk $0xffff, v2  }
0x131: {  	v63 =	vshll.u32 v32, $0x8;
	v26 =	vor.u32 v9, v62;
	[tilespmem:v25+s14+$0x0] =	vst.idx.add.f32.msk $0xffff, v2  }
0x132: {  	v27 =	vor.u32 v10, v63;
	[tilespmem:v22+s14+$0x0] =	vst.idx.add.f32.msk $0xffff, v2  }
.Ltmp5:
0x133: {  	[tilespmem:v23+s14+$0x0] =	vst.idx.add.f32.msk $0xffff, v2;
	(pc) =	sbr.rel @p0 .LBB2_10-.Ltmp5, $4  }
0x134: {  	[tilespmem:v20+s14+$0x0] =	vst.idx.add.f32.msk $0xffff, v2  }
0x135: {  	[tilespmem:v21+s14+$0x0] =	vst.idx.add.f32.msk $0xffff, v2  }
0x136: {  	[tilespmem:v26+s14+$0x0] =	vst.idx.add.f32.msk $0xffff, v2  }
0x137: {  	[tilespmem:v27+s14+$0x0] =	vst.idx.add.f32.msk $0xffff, v2  }
.Ltmp6:
0x138: {  	(pc) =	sbr.rel .LBB2_4-.Ltmp6, $3  }
0x139: {  	_ =	sdelay $0x1  }
0x13a: {  	s21 =	sadd.s32 s21, s7;
	s20 =	sadd.s32 $0x1, s20  }
0x13b: {  	[tilespmem:s12], [sflag:$0x2] =	stream.linear.gather [hbm4b:s21+s2], $0x8000, $0x38;
	[tilespmem:$0x12200] =	vst v63  }
.LBB2_11:
0x13c: {  	_ =	sfence.sel $0x180000  }
0x13d: {  	[bflag:$0x0] =	sbarrier.arrive $0xFFFF  }
0x13e: {  	p0 =	sne.s32 s0, $0x0;
	_ =	strace $0x90000047  }
0x13f: {  	s0 =	sadd.s32 @!p0 $0x100000, s1;
	[bflag:$0x2] =	sbarrier.arrive $0xFFFF  }
0x140: {  	[sflag:s0] =	ssyncadd.tile.s32 @!p0 $0x1;
	_ =	shalt  }
.Lfunc_end2:
_tile_overlayer_lowered:
.L_overlay_start_2:
0x141: {  	(tag) =	ssettag $0x2  }
0x142: {  	s0 =	rddreg [dreg:$0x0];
	s2 =	stileid.u32  }
0x143: {  	s1 =	rddreg [dreg:$0x1];
	p0 =	sne.s32 s2, $0x0  }
0x144: {  	s3 =	rddreg [dreg:$0x2];
	[bflag:$0x3] =	sbarrier.arrive $0xFFFF;
	s2 =	simm.s32 @!p0 $0x1C03  }
0x145: {  	[timem:s3], [sflag:s2] =	dma.local @!p0 [hbm:s0], s1  }
0x146: {  	s0 =	simm.s32 @!p0 $0x3  }
0x147: {  	_ =	swait.ge @!p0 [sflag:s0], s1  }
0x148: {  	s1 =	ssub.s32 @!p0 $0x0, s1;
	[sflag:s0] =	ssyncset.done @!p0 $0x0  }
0x149: {  	[sflag:s0] =	ssyncadd.s32 @!p0 s1  }
0x14a: {  	[bflag:$0x3] =	sbarrier.arrive $0xFFFF  }
0x14b: {  	_ =	shalt  }

</sc_bundles>
